<compile_context>
chip_gen: v7x
topology: tpu7x:2x2x1
jax: 0.10.2.dev20260603
libtpu: 0.0.44.dev20260713+nightly
codegen_flags: <defaults>
</compile_context>

<pallas_src>
import functools

import jax
import jax.numpy as jnp
from jax import lax
from jax.experimental import pallas as pl
from jax.experimental.pallas import tpu as pltpu
from jax.experimental.pallas import tpu_sc as plsc

_DP = 128


def _make_remap_kernel(N, n_workers, chunk):
    per_w = N // n_workers
    n_chunks = per_w // chunk
    assert n_chunks % 2 == 0 and n_chunks >= 4
    mesh = plsc.VectorSubcoreMesh(core_axis_name="c", subcore_axis_name="s")

    @functools.partial(
        pl.kernel,
        mesh=mesh,
        compiler_params=pltpu.CompilerParams(use_tc_tiling_on_sc=False),
        out_type=jax.ShapeDtypeStruct((N,), jnp.int32),
        scratch_types=[
            pltpu.VMEM((2 * chunk,), jnp.int32),
            pltpu.VMEM((2 * chunk,), jnp.int32),
            pltpu.SemaphoreType.DMA,
            pltpu.SemaphoreType.DMA,
            pltpu.SemaphoreType.DMA,
            pltpu.SemaphoreType.DMA,
        ],
    )
    def k(words_hbm, w2w2_hbm, out_hbm, idx_v, remap_v, rs0, rs1, os0, os1):
        wid = lax.axis_index("s") * 2 + lax.axis_index("c")
        base = wid * per_w
        rsem = (rs0, rs1)
        osem = (os0, os1)

        def isl(p):
            return pl.ds(p * chunk, chunk)

        for p in (0, 1):
            pltpu.sync_copy(words_hbm.at[pl.ds(base + p * chunk, chunk)],
                            idx_v.at[isl(p)])
            pltpu.async_copy(w2w2_hbm.at[idx_v.at[isl(p)]],
                             remap_v.at[isl(p)], rsem[p])

        def pair(i, carry):
            for p in (0, 1):
                g = i * 2 + p
                off = base + g * chunk

                @pl.when(g >= 2)
                def _drain_and_regather():
                    pltpu.make_async_copy(
                        remap_v.at[isl(p)],
                        out_hbm.at[pl.ds(off - 2 * chunk, chunk)],
                        osem[p],
                    ).wait()
                    pltpu.async_copy(w2w2_hbm.at[idx_v.at[isl(p)]],
                                     remap_v.at[isl(p)], rsem[p])

                pltpu.make_async_copy(
                    w2w2_hbm.at[idx_v.at[isl(p)]],
                    remap_v.at[isl(p)], rsem[p]
                ).wait()
                pltpu.async_copy(
                    remap_v.at[isl(p)], out_hbm.at[pl.ds(off, chunk)],
                    osem[p],
                )

                @pl.when(g + 2 < n_chunks)
                def _prefetch_idx():
                    pltpu.sync_copy(
                        words_hbm.at[pl.ds(off + 2 * chunk, chunk)],
                        idx_v.at[isl(p)],
                    )

            return carry

        lax.fori_loop(0, n_chunks // 2, pair, 0)

        for p in (0, 1):
            g = n_chunks - 2 + p
            pltpu.make_async_copy(
                remap_v.at[isl(p)],
                out_hbm.at[pl.ds(base + g * chunk, chunk)],
                osem[p],
            ).wait()

    return k


def _make_row_kernel(N, D, n_workers, chunk):
    per_w = N // n_workers
    n_chunks = per_w // chunk
    assert n_chunks % 2 == 0 and n_chunks >= 4
    mesh = plsc.VectorSubcoreMesh(core_axis_name="c", subcore_axis_name="s")

    @functools.partial(
        pl.kernel,
        mesh=mesh,
        compiler_params=pltpu.CompilerParams(use_tc_tiling_on_sc=False),
        out_type=jax.ShapeDtypeStruct((N, _DP), jnp.float32),
        scratch_types=[
            pltpu.VMEM((2 * chunk,), jnp.int32),
            pltpu.VMEM((2, chunk, D), jnp.float32),
            pltpu.SemaphoreType.DMA,
            pltpu.SemaphoreType.DMA,
            pltpu.SemaphoreType.DMA,
            pltpu.SemaphoreType.DMA,
        ],
    )
    def k(remap_hbm, emb_hbm, out_hbm, remap_v, rows_v, gs0, gs1, os0, os1):
        wid = lax.axis_index("s") * 2 + lax.axis_index("c")
        base = wid * per_w
        gsem = (gs0, gs1)
        osem = (os0, os1)

        def isl(p):
            return pl.ds(p * chunk, chunk)

        for p in (0, 1):
            pltpu.sync_copy(remap_hbm.at[pl.ds(base + p * chunk, chunk)],
                            remap_v.at[isl(p)])
        pltpu.async_copy(
            emb_hbm.at[remap_v.at[isl(0)]], rows_v.at[0], gsem[0]
        )

        def pair(i, carry):
            for p in (0, 1):
                g = i * 2 + p
                off = base + g * chunk
                q = 1 - p

                @pl.when(g >= 1)
                def _drain_prev_write():
                    pltpu.make_async_copy(
                        rows_v.at[q],
                        out_hbm.at[pl.ds(off - chunk, chunk), pl.ds(0, D)],
                        osem[q],
                    ).wait()

                @pl.when(g + 1 < n_chunks)
                def _start_next_gather():
                    pltpu.async_copy(
                        emb_hbm.at[remap_v.at[isl(q)]], rows_v.at[q], gsem[q]
                    )

                pltpu.make_async_copy(
                    emb_hbm.at[remap_v.at[isl(p)]], rows_v.at[p], gsem[p]
                ).wait()
                pltpu.async_copy(
                    rows_v.at[p],
                    out_hbm.at[pl.ds(off, chunk), pl.ds(0, D)],
                    osem[p],
                )

                @pl.when(g + 2 < n_chunks)
                def _prefetch_idx():
                    pltpu.sync_copy(
                        remap_hbm.at[pl.ds(off + 2 * chunk, chunk)],
                        remap_v.at[isl(p)],
                    )

            return carry

        lax.fori_loop(0, n_chunks // 2, pair, 0)

        pltpu.make_async_copy(
            rows_v.at[1],
            out_hbm.at[pl.ds(base + (n_chunks - 1) * chunk, chunk),
                       pl.ds(0, D)],
            osem[1],
        ).wait()

    return k


def kernel(words, words_to_words, embedding_weight):
    B, L = words.shape
    V, D = embedding_weight.shape
    N = B * L
    words_flat = words.reshape(N).astype(jnp.int32)
    w2w2 = words_to_words * 2
    emb_padded = jnp.pad(embedding_weight, ((0, 0), (0, _DP - D)))
    emb_rows = emb_padded.reshape(V * _DP // D, D)
    ka = _make_remap_kernel(N, n_workers=32, chunk=1600)
    kb = _make_row_kernel(N, D, n_workers=32, chunk=800)
    remap2 = ka(words_flat, w2w2)
    out = kb(remap2, emb_rows)
    return out[:, :D].reshape(B, L, D)

# --- scband reference (transcript-rebuilt; emitter-appended) ---
"""Pipeline reference for scband-untruncated-embedding-48576080118519 (READ-ONLY COPY).

The authoritative reference and input builder live on the scoring server;
editing this copy changes nothing except your own understanding.
"""

import jax, jax.numpy as jnp
import numpy as np

VOCAB = 1000000
EMB_ROWS = 1000000
DIM = 64
B = 4096
L = 200


def setup_inputs(seed: int = 0) -> dict:
    key = jax.random.key(seed)
    k1, k2, k3 = jax.random.split(key, 3)
    # word ids fed to forward
    words = jax.random.randint(k1, (B, L), 0, VOCAB, dtype=jnp.int64) if jax.config.jax_enable_x64 else jax.random.randint(k1, (B, L), 0, VOCAB, dtype=jnp.int32)
    # buffer: maps vocab index -> row in pretrained embedding matrix
    words_to_words = jax.random.randint(k2, (VOCAB,), 0, EMB_ROWS, dtype=jnp.int32)
    # pretrained embedding weight (nn.Embedding.from_pretrained)
    embedding_weight = jax.random.normal(k3, (EMB_ROWS, DIM), dtype=jnp.float32)
    return {"words": words, "words_to_words": words_to_words, "embedding_weight": embedding_weight}


def reference(words, words_to_words, embedding_weight):
    # words = self.words_to_words[words]
    remapped = jnp.take(words_to_words, words, axis=0)
    # words = self.embedding(words)
    out = jnp.take(embedding_weight, remapped, axis=0)
    return out

if __name__ == "__main__":
    import jax
    _d = setup_inputs()
    print(jax.jit(kernel)(*tuple(_d.values())))

</pallas_src>

<mosaic_0001>
#map = affine_map<(d0, d1) -> (0)>
module attributes {stable_mosaic.version = 14 : i64} {
  func.func @k(%arg0: i32, %arg1: i32, %arg2: memref<819200xi32, #tpu.memory_space<hbm>>, %arg3: memref<1000000xi32, #tpu.memory_space<hbm>>, %arg4: memref<819200xi32, #tpu.memory_space<hbm>>, %arg5: memref<3200xi32, #tpu.memory_space<vmem>>, %arg6: memref<3200xi32, #tpu.memory_space<vmem>>, %arg7: memref<!tpu.dma_semaphore, #tpu.memory_space<semaphore_mem>>, %arg8: memref<!tpu.dma_semaphore, #tpu.memory_space<semaphore_mem>>, %arg9: memref<!tpu.dma_semaphore, #tpu.memory_space<semaphore_mem>>, %arg10: memref<!tpu.dma_semaphore, #tpu.memory_space<semaphore_mem>>) attributes {dimension_semantics = [#tpu.dimension_semantics<core_parallel>, #tpu.dimension_semantics<subcore_parallel>], iteration_bounds = array<i64: 2, 16>, scalar_prefetch = 0 : i64, scratch_operands = 6 : i64, tpu.core_type = #tpu.core_type<sc_vector_subcore>, window_params = [{transform_indices = #map}, {transform_indices = #map}, {transform_indices = #map}]} {
    %mul3A = arith.constant 2 : i32
    %mul3A_0 = arith.muli %arg1, %mul3A : i32
    %add3A = arith.addi %mul3A_0, %arg0 : i32
    %mul3A_1 = arith.constant 25600 : i32
    %mul3A_2 = arith.muli %add3A, %mul3A_1 : i32
    %add3A_3 = arith.constant 0 : i32
    %add3A_4 = arith.addi %mul3A_2, %add3A_3 : i32
    "tpu.region"() ({
      %run_scoped3A = tpu.sem_alloc : memref<!tpu.dma_semaphore, #tpu.memory_space<semaphore_mem>>
      %dma_start3A_38 = arith.constant 0 : i32
      %dma_start3A_39 = tpu.memref_slice %arg5[%dma_start3A_38] : memref<3200xi32, #tpu.memory_space<vmem>> -> memref<1600xi32, #tpu.memory_space<vmem>>
      %dma_start3A_40 = tpu.memref_slice %arg2[%add3A_4] : memref<819200xi32, #tpu.memory_space<hbm>> -> memref<1600xi32, #tpu.memory_space<hbm>>
      %dma_start3A_41 = arith.constant 0 : i32
      %dma_start3A_42 = tpu.memref_slice %arg5[%dma_start3A_41] : memref<3200xi32, #tpu.memory_space<vmem>> -> memref<1600xi32, #tpu.memory_space<vmem>>
      %dma_start3A_43 = tpu.memref_slice %arg2[%add3A_4] : memref<819200xi32, #tpu.memory_space<hbm>> -> memref<1600xi32, #tpu.memory_space<hbm>>
      tpu.enqueue_dma source(%dma_start3A_43 : memref<1600xi32, #tpu.memory_space<hbm>>) target(%dma_start3A_42 : memref<1600xi32, #tpu.memory_space<vmem>>) target_semaphore(%run_scoped3A : memref<!tpu.dma_semaphore, #tpu.memory_space<semaphore_mem>>)
      %dma_wait3A_44 = arith.constant 0 : i32
      %dma_wait3A_45 = tpu.memref_slice %arg5[%dma_wait3A_44] : memref<3200xi32, #tpu.memory_space<vmem>> -> memref<1600xi32, #tpu.memory_space<vmem>>
      %dma_wait3A_46 = tpu.memref_slice %arg2[%add3A_4] : memref<819200xi32, #tpu.memory_space<hbm>> -> memref<1600xi32, #tpu.memory_space<hbm>>
      %dma_wait3A_47 = arith.constant 0 : i32
      %dma_wait3A_48 = tpu.memref_slice %arg5[%dma_wait3A_47] : memref<3200xi32, #tpu.memory_space<vmem>> -> memref<1600xi32, #tpu.memory_space<vmem>>
      %dma_wait3A_49 = tpu.memref_slice %arg2[%add3A_4] : memref<819200xi32, #tpu.memory_space<hbm>> -> memref<1600xi32, #tpu.memory_space<hbm>>
      tpu.wait_dma2 semaphore(%run_scoped3A : memref<!tpu.dma_semaphore, #tpu.memory_space<semaphore_mem>>) src(%dma_wait3A_49 : memref<1600xi32, #tpu.memory_space<hbm>>) dst(%dma_wait3A_48 : memref<1600xi32, #tpu.memory_space<vmem>>)
      tpu.yield
    }) : () -> ()
    %dma_start3A = arith.constant 0 : i32
    %dma_start3A_5 = tpu.memref_slice %arg6[%dma_start3A] : memref<3200xi32, #tpu.memory_space<vmem>> -> memref<1600xi32, #tpu.memory_space<vmem>>
    %dma_start3A_6 = arith.constant 0 : i32
    %dma_start3A_7 = tpu.memref_slice %arg5[%dma_start3A_6] : memref<3200xi32, #tpu.memory_space<vmem>> -> memref<1600xi32, #tpu.memory_space<vmem>>
    %dma_start3A_8 = arith.constant 0 : i32
    %dma_start3A_9 = tpu.memref_slice %arg3[%dma_start3A_8] : memref<1000000xi32, #tpu.memory_space<hbm>> -> memref<1000000xi32, #tpu.memory_space<hbm>>
    tpu.enqueue_indirect_dma source(%dma_start3A_9 : memref<1000000xi32, #tpu.memory_space<hbm>>) target(%dma_start3A_5 : memref<1600xi32, #tpu.memory_space<vmem>>) offsets(%dma_start3A_7 : memref<1600xi32, #tpu.memory_space<vmem>>) semaphore(%arg7 : memref<!tpu.dma_semaphore, #tpu.memory_space<semaphore_mem>>)
    %add3A_10 = arith.constant 1600 : i32
    %add3A_11 = arith.addi %mul3A_2, %add3A_10 : i32
    "tpu.region"() ({
      %run_scoped3A = tpu.sem_alloc : memref<!tpu.dma_semaphore, #tpu.memory_space<semaphore_mem>>
      %dma_start3A_38 = arith.constant 1600 : i32
      %dma_start3A_39 = tpu.memref_slice %arg5[%dma_start3A_38] : memref<3200xi32, #tpu.memory_space<vmem>> -> memref<1600xi32, #tpu.memory_space<vmem>>
      %dma_start3A_40 = tpu.memref_slice %arg2[%add3A_11] : memref<819200xi32, #tpu.memory_space<hbm>> -> memref<1600xi32, #tpu.memory_space<hbm>>
      %dma_start3A_41 = arith.constant 1600 : i32
      %dma_start3A_42 = tpu.memref_slice %arg5[%dma_start3A_41] : memref<3200xi32, #tpu.memory_space<vmem>> -> memref<1600xi32, #tpu.memory_space<vmem>>
      %dma_start3A_43 = tpu.memref_slice %arg2[%add3A_11] : memref<819200xi32, #tpu.memory_space<hbm>> -> memref<1600xi32, #tpu.memory_space<hbm>>
      tpu.enqueue_dma source(%dma_start3A_43 : memref<1600xi32, #tpu.memory_space<hbm>>) target(%dma_start3A_42 : memref<1600xi32, #tpu.memory_space<vmem>>) target_semaphore(%run_scoped3A : memref<!tpu.dma_semaphore, #tpu.memory_space<semaphore_mem>>)
      %dma_wait3A_44 = arith.constant 1600 : i32
      %dma_wait3A_45 = tpu.memref_slice %arg5[%dma_wait3A_44] : memref<3200xi32, #tpu.memory_space<vmem>> -> memref<1600xi32, #tpu.memory_space<vmem>>
      %dma_wait3A_46 = tpu.memref_slice %arg2[%add3A_11] : memref<819200xi32, #tpu.memory_space<hbm>> -> memref<1600xi32, #tpu.memory_space<hbm>>
      %dma_wait3A_47 = arith.constant 1600 : i32
      %dma_wait3A_48 = tpu.memref_slice %arg5[%dma_wait3A_47] : memref<3200xi32, #tpu.memory_space<vmem>> -> memref<1600xi32, #tpu.memory_space<vmem>>
      %dma_wait3A_49 = tpu.memref_slice %arg2[%add3A_11] : memref<819200xi32, #tpu.memory_space<hbm>> -> memref<1600xi32, #tpu.memory_space<hbm>>
      tpu.wait_dma2 semaphore(%run_scoped3A : memref<!tpu.dma_semaphore, #tpu.memory_space<semaphore_mem>>) src(%dma_wait3A_49 : memref<1600xi32, #tpu.memory_space<hbm>>) dst(%dma_wait3A_48 : memref<1600xi32, #tpu.memory_space<vmem>>)
      tpu.yield
    }) : () -> ()
    %dma_start3A_12 = arith.constant 1600 : i32
    %dma_start3A_13 = tpu.memref_slice %arg6[%dma_start3A_12] : memref<3200xi32, #tpu.memory_space<vmem>> -> memref<1600xi32, #tpu.memory_space<vmem>>
    %dma_start3A_14 = arith.constant 1600 : i32
    %dma_start3A_15 = tpu.memref_slice %arg5[%dma_start3A_14] : memref<3200xi32, #tpu.memory_space<vmem>> -> memref<1600xi32, #tpu.memory_space<vmem>>
    %dma_start3A_16 = arith.constant 0 : i32
    %dma_start3A_17 = tpu.memref_slice %arg3[%dma_start3A_16] : memref<1000000xi32, #tpu.memory_space<hbm>> -> memref<1000000xi32, #tpu.memory_space<hbm>>
    tpu.enqueue_indirect_dma source(%dma_start3A_17 : memref<1000000xi32, #tpu.memory_space<hbm>>) target(%dma_start3A_13 : memref<1600xi32, #tpu.memory_space<vmem>>) offsets(%dma_start3A_15 : memref<1600xi32, #tpu.memory_space<vmem>>) semaphore(%arg8 : memref<!tpu.dma_semaphore, #tpu.memory_space<semaphore_mem>>)
    %scan3A = arith.constant 0 : i32
    %scan3A_18 = arith.constant 0 : i32
    %scan3A_19 = arith.constant 8 : i32
    %scan3A_20 = arith.addi %scan3A_18, %scan3A_19 : i32
    %scan3A_21 = arith.constant 1 : i32
    scf.for %scan3A_38 = %scan3A_18 to %scan3A_20 step %scan3A_21  : i32 {
      %mul3A_39 = arith.constant 2 : i32
      %mul3A_40 = arith.muli %scan3A_38, %mul3A_39 : i32
      %add3A_41 = arith.constant 0 : i32
      %add3A_42 = arith.addi %mul3A_40, %add3A_41 : i32
      %mul3A_43 = arith.constant 1600 : i32
      %mul3A_44 = arith.muli %add3A_42, %mul3A_43 : i32
      %add3A_45 = arith.addi %mul3A_2, %mul3A_44 : i32
      %ge3A = arith.constant 2 : i32
      %ge3A_46 = arith.cmpi sge, %add3A_42, %ge3A : i32
      %convert_element_type3A = arith.extui %ge3A_46 : i1 to i32
      %cond3A = arith.constant 0 : i32
      %cond3A_47 = arith.cmpi ne, %convert_element_type3A, %cond3A : i32
      scf.if %cond3A_47 {
        %sub3A = arith.constant 3200 : i32
        %sub3A_97 = arith.subi %add3A_45, %sub3A : i32
        %dma_wait3A_98 = arith.constant 0 : i32
        %dma_wait3A_99 = tpu.memref_slice %arg6[%dma_wait3A_98] : memref<3200xi32, #tpu.memory_space<vmem>> -> memref<1600xi32, #tpu.memory_space<vmem>>
        %dma_wait3A_100 = tpu.memref_slice %arg4[%sub3A_97] : memref<819200xi32, #tpu.memory_space<hbm>> -> memref<1600xi32, #tpu.memory_space<hbm>>
        %dma_wait3A_101 = tpu.memref_slice %arg4[%sub3A_97] : memref<819200xi32, #tpu.memory_space<hbm>> -> memref<1600xi32, #tpu.memory_space<hbm>>
        %dma_wait3A_102 = arith.constant 0 : i32
        %dma_wait3A_103 = tpu.memref_slice %arg6[%dma_wait3A_102] : memref<3200xi32, #tpu.memory_space<vmem>> -> memref<1600xi32, #tpu.memory_space<vmem>>
        tpu.wait_dma2 semaphore(%arg9 : memref<!tpu.dma_semaphore, #tpu.memory_space<semaphore_mem>>) src(%dma_wait3A_103 : memref<1600xi32, #tpu.memory_space<vmem>>) dst(%dma_wait3A_101 : memref<1600xi32, #tpu.memory_space<hbm>>)
        %dma_start3A_104 = arith.constant 0 : i32
        %dma_start3A_105 = tpu.memref_slice %arg6[%dma_start3A_104] : memref<3200xi32, #tpu.memory_space<vmem>> -> memref<1600xi32, #tpu.memory_space<vmem>>
        %dma_start3A_106 = arith.constant 0 : i32
        %dma_start3A_107 = tpu.memref_slice %arg5[%dma_start3A_106] : memref<3200xi32, #tpu.memory_space<vmem>> -> memref<1600xi32, #tpu.memory_space<vmem>>
        %dma_start3A_108 = arith.constant 0 : i32
        %dma_start3A_109 = tpu.memref_slice %arg3[%dma_start3A_108] : memref<1000000xi32, #tpu.memory_space<hbm>> -> memref<1000000xi32, #tpu.memory_space<hbm>>
        tpu.enqueue_indirect_dma source(%dma_start3A_109 : memref<1000000xi32, #tpu.memory_space<hbm>>) target(%dma_start3A_105 : memref<1600xi32, #tpu.memory_space<vmem>>) offsets(%dma_start3A_107 : memref<1600xi32, #tpu.memory_space<vmem>>) semaphore(%arg7 : memref<!tpu.dma_semaphore, #tpu.memory_space<semaphore_mem>>)
      } else {
      }
      %dma_wait3A_48 = arith.constant 0 : i32
      %dma_wait3A_49 = tpu.memref_slice %arg6[%dma_wait3A_48] : memref<3200xi32, #tpu.memory_space<vmem>> -> memref<1600xi32, #tpu.memory_space<vmem>>
      %dma_wait3A_50 = arith.constant 0 : i32
      %dma_wait3A_51 = tpu.memref_slice %arg5[%dma_wait3A_50] : memref<3200xi32, #tpu.memory_space<vmem>> -> memref<1600xi32, #tpu.memory_space<vmem>>
      %dma_wait3A_52 = arith.constant 0 : i32
      %dma_wait3A_53 = tpu.memref_slice %arg3[%dma_wait3A_52] : memref<1000000xi32, #tpu.memory_space<hbm>> -> memref<1000000xi32, #tpu.memory_space<hbm>>
      tpu.wait_indirect_dma semaphore(%arg7 : memref<!tpu.dma_semaphore, #tpu.memory_space<semaphore_mem>>) src(%dma_wait3A_53 : memref<1000000xi32, #tpu.memory_space<hbm>>) dst(%dma_wait3A_49 : memref<1600xi32, #tpu.memory_space<vmem>>)
      %dma_start3A_54 = arith.constant 0 : i32
      %dma_start3A_55 = tpu.memref_slice %arg6[%dma_start3A_54] : memref<3200xi32, #tpu.memory_space<vmem>> -> memref<1600xi32, #tpu.memory_space<vmem>>
      %dma_start3A_56 = tpu.memref_slice %arg4[%add3A_45] : memref<819200xi32, #tpu.memory_space<hbm>> -> memref<1600xi32, #tpu.memory_space<hbm>>
      %dma_start3A_57 = tpu.memref_slice %arg4[%add3A_45] : memref<819200xi32, #tpu.memory_space<hbm>> -> memref<1600xi32, #tpu.memory_space<hbm>>
      %dma_start3A_58 = arith.constant 0 : i32
      %dma_start3A_59 = tpu.memref_slice %arg6[%dma_start3A_58] : memref<3200xi32, #tpu.memory_space<vmem>> -> memref<1600xi32, #tpu.memory_space<vmem>>
      tpu.enqueue_dma source(%dma_start3A_59 : memref<1600xi32, #tpu.memory_space<vmem>>) target(%dma_start3A_57 : memref<1600xi32, #tpu.memory_space<hbm>>) target_semaphore(%arg9 : memref<!tpu.dma_semaphore, #tpu.memory_space<semaphore_mem>>)
      %add3A_60 = arith.constant 2 : i32
      %add3A_61 = arith.addi %add3A_42, %add3A_60 : i32
      %lt3A = arith.constant 16 : i32
      %lt3A_62 = arith.cmpi slt, %add3A_61, %lt3A : i32
      %convert_element_type3A_63 = arith.extui %lt3A_62 : i1 to i32
      %cond3A_64 = arith.constant 0 : i32
      %cond3A_65 = arith.cmpi ne, %convert_element_type3A_63, %cond3A_64 : i32
      scf.if %cond3A_65 {
        %add3A_97 = arith.constant 3200 : i32
        %add3A_98 = arith.addi %add3A_45, %add3A_97 : i32
        "tpu.region"() ({
          %run_scoped3A = tpu.sem_alloc : memref<!tpu.dma_semaphore, #tpu.memory_space<semaphore_mem>>
          %dma_start3A_99 = arith.constant 0 : i32
          %dma_start3A_100 = tpu.memref_slice %arg5[%dma_start3A_99] : memref<3200xi32, #tpu.memory_space<vmem>> -> memref<1600xi32, #tpu.memory_space<vmem>>
          %dma_start3A_101 = tpu.memref_slice %arg2[%add3A_98] : memref<819200xi32, #tpu.memory_space<hbm>> -> memref<1600xi32, #tpu.memory_space<hbm>>
          %dma_start3A_102 = arith.constant 0 : i32
          %dma_start3A_103 = tpu.memref_slice %arg5[%dma_start3A_102] : memref<3200xi32, #tpu.memory_space<vmem>> -> memref<1600xi32, #tpu.memory_space<vmem>>
          %dma_start3A_104 = tpu.memref_slice %arg2[%add3A_98] : memref<819200xi32, #tpu.memory_space<hbm>> -> memref<1600xi32, #tpu.memory_space<hbm>>
          tpu.enqueue_dma source(%dma_start3A_104 : memref<1600xi32, #tpu.memory_space<hbm>>) target(%dma_start3A_103 : memref<1600xi32, #tpu.memory_space<vmem>>) target_semaphore(%run_scoped3A : memref<!tpu.dma_semaphore, #tpu.memory_space<semaphore_mem>>)
          %dma_wait3A_105 = arith.constant 0 : i32
          %dma_wait3A_106 = tpu.memref_slice %arg5[%dma_wait3A_105] : memref<3200xi32, #tpu.memory_space<vmem>> -> memref<1600xi32, #tpu.memory_space<vmem>>
          %dma_wait3A_107 = tpu.memref_slice %arg2[%add3A_98] : memref<819200xi32, #tpu.memory_space<hbm>> -> memref<1600xi32, #tpu.memory_space<hbm>>
          %dma_wait3A_108 = arith.constant 0 : i32
          %dma_wait3A_109 = tpu.memref_slice %arg5[%dma_wait3A_108] : memref<3200xi32, #tpu.memory_space<vmem>> -> memref<1600xi32, #tpu.memory_space<vmem>>
          %dma_wait3A_110 = tpu.memref_slice %arg2[%add3A_98] : memref<819200xi32, #tpu.memory_space<hbm>> -> memref<1600xi32, #tpu.memory_space<hbm>>
          tpu.wait_dma2 semaphore(%run_scoped3A : memref<!tpu.dma_semaphore, #tpu.memory_space<semaphore_mem>>) src(%dma_wait3A_110 : memref<1600xi32, #tpu.memory_space<hbm>>) dst(%dma_wait3A_109 : memref<1600xi32, #tpu.memory_space<vmem>>)
          tpu.yield
        }) : () -> ()
      } else {
      }
      %mul3A_66 = arith.constant 2 : i32
      %mul3A_67 = arith.muli %scan3A_38, %mul3A_66 : i32
      %add3A_68 = arith.constant 1 : i32
      %add3A_69 = arith.addi %mul3A_67, %add3A_68 : i32
      %mul3A_70 = arith.constant 1600 : i32
      %mul3A_71 = arith.muli %add3A_69, %mul3A_70 : i32
      %add3A_72 = arith.addi %mul3A_2, %mul3A_71 : i32
      %ge3A_73 = arith.constant 2 : i32
      %ge3A_74 = arith.cmpi sge, %add3A_69, %ge3A_73 : i32
      %convert_element_type3A_75 = arith.extui %ge3A_74 : i1 to i32
      %cond3A_76 = arith.constant 0 : i32
      %cond3A_77 = arith.cmpi ne, %convert_element_type3A_75, %cond3A_76 : i32
      scf.if %cond3A_77 {
        %sub3A = arith.constant 3200 : i32
        %sub3A_97 = arith.subi %add3A_72, %sub3A : i32
        %dma_wait3A_98 = arith.constant 1600 : i32
        %dma_wait3A_99 = tpu.memref_slice %arg6[%dma_wait3A_98] : memref<3200xi32, #tpu.memory_space<vmem>> -> memref<1600xi32, #tpu.memory_space<vmem>>
        %dma_wait3A_100 = tpu.memref_slice %arg4[%sub3A_97] : memref<819200xi32, #tpu.memory_space<hbm>> -> memref<1600xi32, #tpu.memory_space<hbm>>
        %dma_wait3A_101 = tpu.memref_slice %arg4[%sub3A_97] : memref<819200xi32, #tpu.memory_space<hbm>> -> memref<1600xi32, #tpu.memory_space<hbm>>
        %dma_wait3A_102 = arith.constant 1600 : i32
        %dma_wait3A_103 = tpu.memref_slice %arg6[%dma_wait3A_102] : memref<3200xi32, #tpu.memory_space<vmem>> -> memref<1600xi32, #tpu.memory_space<vmem>>
        tpu.wait_dma2 semaphore(%arg10 : memref<!tpu.dma_semaphore, #tpu.memory_space<semaphore_mem>>) src(%dma_wait3A_103 : memref<1600xi32, #tpu.memory_space<vmem>>) dst(%dma_wait3A_101 : memref<1600xi32, #tpu.memory_space<hbm>>)
        %dma_start3A_104 = arith.constant 1600 : i32
        %dma_start3A_105 = tpu.memref_slice %arg6[%dma_start3A_104] : memref<3200xi32, #tpu.memory_space<vmem>> -> memref<1600xi32, #tpu.memory_space<vmem>>
        %dma_start3A_106 = arith.constant 1600 : i32
        %dma_start3A_107 = tpu.memref_slice %arg5[%dma_start3A_106] : memref<3200xi32, #tpu.memory_space<vmem>> -> memref<1600xi32, #tpu.memory_space<vmem>>
        %dma_start3A_108 = arith.constant 0 : i32
        %dma_start3A_109 = tpu.memref_slice %arg3[%dma_start3A_108] : memref<1000000xi32, #tpu.memory_space<hbm>> -> memref<1000000xi32, #tpu.memory_space<hbm>>
        tpu.enqueue_indirect_dma source(%dma_start3A_109 : memref<1000000xi32, #tpu.memory_space<hbm>>) target(%dma_start3A_105 : memref<1600xi32, #tpu.memory_space<vmem>>) offsets(%dma_start3A_107 : memref<1600xi32, #tpu.memory_space<vmem>>) semaphore(%arg8 : memref<!tpu.dma_semaphore, #tpu.memory_space<semaphore_mem>>)
      } else {
      }
      %dma_wait3A_78 = arith.constant 1600 : i32
      %dma_wait3A_79 = tpu.memref_slice %arg6[%dma_wait3A_78] : memref<3200xi32, #tpu.memory_space<vmem>> -> memref<1600xi32, #tpu.memory_space<vmem>>
      %dma_wait3A_80 = arith.constant 1600 : i32
      %dma_wait3A_81 = tpu.memref_slice %arg5[%dma_wait3A_80] : memref<3200xi32, #tpu.memory_space<vmem>> -> memref<1600xi32, #tpu.memory_space<vmem>>
      %dma_wait3A_82 = arith.constant 0 : i32
      %dma_wait3A_83 = tpu.memref_slice %arg3[%dma_wait3A_82] : memref<1000000xi32, #tpu.memory_space<hbm>> -> memref<1000000xi32, #tpu.memory_space<hbm>>
      tpu.wait_indirect_dma semaphore(%arg8 : memref<!tpu.dma_semaphore, #tpu.memory_space<semaphore_mem>>) src(%dma_wait3A_83 : memref<1000000xi32, #tpu.memory_space<hbm>>) dst(%dma_wait3A_79 : memref<1600xi32, #tpu.memory_space<vmem>>)
      %dma_start3A_84 = arith.constant 1600 : i32
      %dma_start3A_85 = tpu.memref_slice %arg6[%dma_start3A_84] : memref<3200xi32, #tpu.memory_space<vmem>> -> memref<1600xi32, #tpu.memory_space<vmem>>
      %dma_start3A_86 = tpu.memref_slice %arg4[%add3A_72] : memref<819200xi32, #tpu.memory_space<hbm>> -> memref<1600xi32, #tpu.memory_space<hbm>>
      %dma_start3A_87 = tpu.memref_slice %arg4[%add3A_72] : memref<819200xi32, #tpu.memory_space<hbm>> -> memref<1600xi32, #tpu.memory_space<hbm>>
      %dma_start3A_88 = arith.constant 1600 : i32
      %dma_start3A_89 = tpu.memref_slice %arg6[%dma_start3A_88] : memref<3200xi32, #tpu.memory_space<vmem>> -> memref<1600xi32, #tpu.memory_space<vmem>>
      tpu.enqueue_dma source(%dma_start3A_89 : memref<1600xi32, #tpu.memory_space<vmem>>) target(%dma_start3A_87 : memref<1600xi32, #tpu.memory_space<hbm>>) target_semaphore(%arg10 : memref<!tpu.dma_semaphore, #tpu.memory_space<semaphore_mem>>)
      %add3A_90 = arith.constant 2 : i32
      %add3A_91 = arith.addi %add3A_69, %add3A_90 : i32
      %lt3A_92 = arith.constant 16 : i32
      %lt3A_93 = arith.cmpi slt, %add3A_91, %lt3A_92 : i32
      %convert_element_type3A_94 = arith.extui %lt3A_93 : i1 to i32
      %cond3A_95 = arith.constant 0 : i32
      %cond3A_96 = arith.cmpi ne, %convert_element_type3A_94, %cond3A_95 : i32
      scf.if %cond3A_96 {
        %add3A_97 = arith.constant 3200 : i32
        %add3A_98 = arith.addi %add3A_72, %add3A_97 : i32
        "tpu.region"() ({
          %run_scoped3A = tpu.sem_alloc : memref<!tpu.dma_semaphore, #tpu.memory_space<semaphore_mem>>
          %dma_start3A_99 = arith.constant 1600 : i32
          %dma_start3A_100 = tpu.memref_slice %arg5[%dma_start3A_99] : memref<3200xi32, #tpu.memory_space<vmem>> -> memref<1600xi32, #tpu.memory_space<vmem>>
          %dma_start3A_101 = tpu.memref_slice %arg2[%add3A_98] : memref<819200xi32, #tpu.memory_space<hbm>> -> memref<1600xi32, #tpu.memory_space<hbm>>
          %dma_start3A_102 = arith.constant 1600 : i32
          %dma_start3A_103 = tpu.memref_slice %arg5[%dma_start3A_102] : memref<3200xi32, #tpu.memory_space<vmem>> -> memref<1600xi32, #tpu.memory_space<vmem>>
          %dma_start3A_104 = tpu.memref_slice %arg2[%add3A_98] : memref<819200xi32, #tpu.memory_space<hbm>> -> memref<1600xi32, #tpu.memory_space<hbm>>
          tpu.enqueue_dma source(%dma_start3A_104 : memref<1600xi32, #tpu.memory_space<hbm>>) target(%dma_start3A_103 : memref<1600xi32, #tpu.memory_space<vmem>>) target_semaphore(%run_scoped3A : memref<!tpu.dma_semaphore, #tpu.memory_space<semaphore_mem>>)
          %dma_wait3A_105 = arith.constant 1600 : i32
          %dma_wait3A_106 = tpu.memref_slice %arg5[%dma_wait3A_105] : memref<3200xi32, #tpu.memory_space<vmem>> -> memref<1600xi32, #tpu.memory_space<vmem>>
          %dma_wait3A_107 = tpu.memref_slice %arg2[%add3A_98] : memref<819200xi32, #tpu.memory_space<hbm>> -> memref<1600xi32, #tpu.memory_space<hbm>>
          %dma_wait3A_108 = arith.constant 1600 : i32
          %dma_wait3A_109 = tpu.memref_slice %arg5[%dma_wait3A_108] : memref<3200xi32, #tpu.memory_space<vmem>> -> memref<1600xi32, #tpu.memory_space<vmem>>
          %dma_wait3A_110 = tpu.memref_slice %arg2[%add3A_98] : memref<819200xi32, #tpu.memory_space<hbm>> -> memref<1600xi32, #tpu.memory_space<hbm>>
          tpu.wait_dma2 semaphore(%run_scoped3A : memref<!tpu.dma_semaphore, #tpu.memory_space<semaphore_mem>>) src(%dma_wait3A_110 : memref<1600xi32, #tpu.memory_space<hbm>>) dst(%dma_wait3A_109 : memref<1600xi32, #tpu.memory_space<vmem>>)
          tpu.yield
        }) : () -> ()
      } else {
      }
    }
    %scan3A_22 = arith.constant 8 : i32
    %add3A_23 = arith.constant 22400 : i32
    %add3A_24 = arith.addi %mul3A_2, %add3A_23 : i32
    %dma_wait3A = arith.constant 0 : i32
    %dma_wait3A_25 = tpu.memref_slice %arg6[%dma_wait3A] : memref<3200xi32, #tpu.memory_space<vmem>> -> memref<1600xi32, #tpu.memory_space<vmem>>
    %dma_wait3A_26 = tpu.memref_slice %arg4[%add3A_24] : memref<819200xi32, #tpu.memory_space<hbm>> -> memref<1600xi32, #tpu.memory_space<hbm>>
    %dma_wait3A_27 = tpu.memref_slice %arg4[%add3A_24] : memref<819200xi32, #tpu.memory_space<hbm>> -> memref<1600xi32, #tpu.memory_space<hbm>>
    %dma_wait3A_28 = arith.constant 0 : i32
    %dma_wait3A_29 = tpu.memref_slice %arg6[%dma_wait3A_28] : memref<3200xi32, #tpu.memory_space<vmem>> -> memref<1600xi32, #tpu.memory_space<vmem>>
    tpu.wait_dma2 semaphore(%arg9 : memref<!tpu.dma_semaphore, #tpu.memory_space<semaphore_mem>>) src(%dma_wait3A_29 : memref<1600xi32, #tpu.memory_space<vmem>>) dst(%dma_wait3A_27 : memref<1600xi32, #tpu.memory_space<hbm>>)
    %add3A_30 = arith.constant 24000 : i32
    %add3A_31 = arith.addi %mul3A_2, %add3A_30 : i32
    %dma_wait3A_32 = arith.constant 1600 : i32
    %dma_wait3A_33 = tpu.memref_slice %arg6[%dma_wait3A_32] : memref<3200xi32, #tpu.memory_space<vmem>> -> memref<1600xi32, #tpu.memory_space<vmem>>
    %dma_wait3A_34 = tpu.memref_slice %arg4[%add3A_31] : memref<819200xi32, #tpu.memory_space<hbm>> -> memref<1600xi32, #tpu.memory_space<hbm>>
    %dma_wait3A_35 = tpu.memref_slice %arg4[%add3A_31] : memref<819200xi32, #tpu.memory_space<hbm>> -> memref<1600xi32, #tpu.memory_space<hbm>>
    %dma_wait3A_36 = arith.constant 1600 : i32
    %dma_wait3A_37 = tpu.memref_slice %arg6[%dma_wait3A_36] : memref<3200xi32, #tpu.memory_space<vmem>> -> memref<1600xi32, #tpu.memory_space<vmem>>
    tpu.wait_dma2 semaphore(%arg10 : memref<!tpu.dma_semaphore, #tpu.memory_space<semaphore_mem>>) src(%dma_wait3A_37 : memref<1600xi32, #tpu.memory_space<vmem>>) dst(%dma_wait3A_35 : memref<1600xi32, #tpu.memory_space<hbm>>)
    return
  }
}

#map = affine_map<(d0, d1) -> (0)>
#map1 = affine_map<(d0, d1) -> (0, 0)>
module attributes {stable_mosaic.version = 14 : i64} {
  func.func @k(%arg0: i32, %arg1: i32, %arg2: memref<819200xi32, #tpu.memory_space<hbm>>, %arg3: memref<2000000x64xf32, #tpu.memory_space<hbm>>, %arg4: memref<819200x128xf32, #tpu.memory_space<hbm>>, %arg5: memref<1600xi32, #tpu.memory_space<vmem>>, %arg6: memref<2x800x64xf32, #tpu.memory_space<vmem>>, %arg7: memref<!tpu.dma_semaphore, #tpu.memory_space<semaphore_mem>>, %arg8: memref<!tpu.dma_semaphore, #tpu.memory_space<semaphore_mem>>, %arg9: memref<!tpu.dma_semaphore, #tpu.memory_space<semaphore_mem>>, %arg10: memref<!tpu.dma_semaphore, #tpu.memory_space<semaphore_mem>>) attributes {dimension_semantics = [#tpu.dimension_semantics<core_parallel>, #tpu.dimension_semantics<subcore_parallel>], iteration_bounds = array<i64: 2, 16>, scalar_prefetch = 0 : i64, scratch_operands = 6 : i64, tpu.core_type = #tpu.core_type<sc_vector_subcore>, window_params = [{transform_indices = #map}, {transform_indices = #map1}, {transform_indices = #map1}]} {
    %mul3A = arith.constant 2 : i32
    %mul3A_0 = arith.muli %arg1, %mul3A : i32
    %add3A = arith.addi %mul3A_0, %arg0 : i32
    %mul3A_1 = arith.constant 25600 : i32
    %mul3A_2 = arith.muli %add3A, %mul3A_1 : i32
    %add3A_3 = arith.constant 0 : i32
    %add3A_4 = arith.addi %mul3A_2, %add3A_3 : i32
    "tpu.region"() ({
      %run_scoped3A = tpu.sem_alloc : memref<!tpu.dma_semaphore, #tpu.memory_space<semaphore_mem>>
      %dma_start3A_35 = arith.constant 0 : i32
      %dma_start3A_36 = tpu.memref_slice %arg5[%dma_start3A_35] : memref<1600xi32, #tpu.memory_space<vmem>> -> memref<800xi32, #tpu.memory_space<vmem>>
      %dma_start3A_37 = tpu.memref_slice %arg2[%add3A_4] : memref<819200xi32, #tpu.memory_space<hbm>> -> memref<800xi32, #tpu.memory_space<hbm>>
      %dma_start3A_38 = arith.constant 0 : i32
      %dma_start3A_39 = tpu.memref_slice %arg5[%dma_start3A_38] : memref<1600xi32, #tpu.memory_space<vmem>> -> memref<800xi32, #tpu.memory_space<vmem>>
      %dma_start3A_40 = tpu.memref_slice %arg2[%add3A_4] : memref<819200xi32, #tpu.memory_space<hbm>> -> memref<800xi32, #tpu.memory_space<hbm>>
      tpu.enqueue_dma source(%dma_start3A_40 : memref<800xi32, #tpu.memory_space<hbm>>) target(%dma_start3A_39 : memref<800xi32, #tpu.memory_space<vmem>>) target_semaphore(%run_scoped3A : memref<!tpu.dma_semaphore, #tpu.memory_space<semaphore_mem>>)
      %dma_wait3A_41 = arith.constant 0 : i32
      %dma_wait3A_42 = tpu.memref_slice %arg5[%dma_wait3A_41] : memref<1600xi32, #tpu.memory_space<vmem>> -> memref<800xi32, #tpu.memory_space<vmem>>
      %dma_wait3A_43 = tpu.memref_slice %arg2[%add3A_4] : memref<819200xi32, #tpu.memory_space<hbm>> -> memref<800xi32, #tpu.memory_space<hbm>>
      %dma_wait3A_44 = arith.constant 0 : i32
      %dma_wait3A_45 = tpu.memref_slice %arg5[%dma_wait3A_44] : memref<1600xi32, #tpu.memory_space<vmem>> -> memref<800xi32, #tpu.memory_space<vmem>>
      %dma_wait3A_46 = tpu.memref_slice %arg2[%add3A_4] : memref<819200xi32, #tpu.memory_space<hbm>> -> memref<800xi32, #tpu.memory_space<hbm>>
      tpu.wait_dma2 semaphore(%run_scoped3A : memref<!tpu.dma_semaphore, #tpu.memory_space<semaphore_mem>>) src(%dma_wait3A_46 : memref<800xi32, #tpu.memory_space<hbm>>) dst(%dma_wait3A_45 : memref<800xi32, #tpu.memory_space<vmem>>)
      tpu.yield
    }) : () -> ()
    %add3A_5 = arith.constant 800 : i32
    %add3A_6 = arith.addi %mul3A_2, %add3A_5 : i32
    "tpu.region"() ({
      %run_scoped3A = tpu.sem_alloc : memref<!tpu.dma_semaphore, #tpu.memory_space<semaphore_mem>>
      %dma_start3A_35 = arith.constant 800 : i32
      %dma_start3A_36 = tpu.memref_slice %arg5[%dma_start3A_35] : memref<1600xi32, #tpu.memory_space<vmem>> -> memref<800xi32, #tpu.memory_space<vmem>>
      %dma_start3A_37 = tpu.memref_slice %arg2[%add3A_6] : memref<819200xi32, #tpu.memory_space<hbm>> -> memref<800xi32, #tpu.memory_space<hbm>>
      %dma_start3A_38 = arith.constant 800 : i32
      %dma_start3A_39 = tpu.memref_slice %arg5[%dma_start3A_38] : memref<1600xi32, #tpu.memory_space<vmem>> -> memref<800xi32, #tpu.memory_space<vmem>>
      %dma_start3A_40 = tpu.memref_slice %arg2[%add3A_6] : memref<819200xi32, #tpu.memory_space<hbm>> -> memref<800xi32, #tpu.memory_space<hbm>>
      tpu.enqueue_dma source(%dma_start3A_40 : memref<800xi32, #tpu.memory_space<hbm>>) target(%dma_start3A_39 : memref<800xi32, #tpu.memory_space<vmem>>) target_semaphore(%run_scoped3A : memref<!tpu.dma_semaphore, #tpu.memory_space<semaphore_mem>>)
      %dma_wait3A_41 = arith.constant 800 : i32
      %dma_wait3A_42 = tpu.memref_slice %arg5[%dma_wait3A_41] : memref<1600xi32, #tpu.memory_space<vmem>> -> memref<800xi32, #tpu.memory_space<vmem>>
      %dma_wait3A_43 = tpu.memref_slice %arg2[%add3A_6] : memref<819200xi32, #tpu.memory_space<hbm>> -> memref<800xi32, #tpu.memory_space<hbm>>
      %dma_wait3A_44 = arith.constant 800 : i32
      %dma_wait3A_45 = tpu.memref_slice %arg5[%dma_wait3A_44] : memref<1600xi32, #tpu.memory_space<vmem>> -> memref<800xi32, #tpu.memory_space<vmem>>
      %dma_wait3A_46 = tpu.memref_slice %arg2[%add3A_6] : memref<819200xi32, #tpu.memory_space<hbm>> -> memref<800xi32, #tpu.memory_space<hbm>>
      tpu.wait_dma2 semaphore(%run_scoped3A : memref<!tpu.dma_semaphore, #tpu.memory_space<semaphore_mem>>) src(%dma_wait3A_46 : memref<800xi32, #tpu.memory_space<hbm>>) dst(%dma_wait3A_45 : memref<800xi32, #tpu.memory_space<vmem>>)
      tpu.yield
    }) : () -> ()
    %dma_start3A = arith.constant 0 : i32
    %dma_start3A_7 = arith.constant 0 : i32
    %dma_start3A_8 = arith.constant 0 : i32
    %dma_start3A_9 = tpu.memref_slice %arg6[%dma_start3A, %dma_start3A_7, %dma_start3A_8] : memref<2x800x64xf32, #tpu.memory_space<vmem>> -> memref<1x800x64xf32, #tpu.memory_space<vmem>>
    %dma_start3A_10 = tpu.memref_squeeze %dma_start3A_9 : memref<1x800x64xf32, #tpu.memory_space<vmem>> -> memref<800x64xf32, #tpu.memory_space<vmem>>
    %dma_start3A_11 = arith.constant 0 : i32
    %dma_start3A_12 = tpu.memref_slice %arg5[%dma_start3A_11] : memref<1600xi32, #tpu.memory_space<vmem>> -> memref<800xi32, #tpu.memory_space<vmem>>
    %dma_start3A_13 = arith.constant 0 : i32
    %dma_start3A_14 = arith.constant 0 : i32
    %dma_start3A_15 = tpu.memref_slice %arg3[%dma_start3A_13, %dma_start3A_14] : memref<2000000x64xf32, #tpu.memory_space<hbm>> -> memref<2000000x64xf32, #tpu.memory_space<hbm>>
    tpu.enqueue_indirect_dma source(%dma_start3A_15 : memref<2000000x64xf32, #tpu.memory_space<hbm>>) target(%dma_start3A_10 : memref<800x64xf32, #tpu.memory_space<vmem>>) offsets(%dma_start3A_12 : memref<800xi32, #tpu.memory_space<vmem>>) semaphore(%arg7 : memref<!tpu.dma_semaphore, #tpu.memory_space<semaphore_mem>>)
    %scan3A = arith.constant 0 : i32
    %scan3A_16 = arith.constant 0 : i32
    %scan3A_17 = arith.constant 16 : i32
    %scan3A_18 = arith.addi %scan3A_16, %scan3A_17 : i32
    %scan3A_19 = arith.constant 1 : i32
    scf.for %scan3A_35 = %scan3A_16 to %scan3A_18 step %scan3A_19  : i32 {
      %mul3A_36 = arith.constant 2 : i32
      %mul3A_37 = arith.muli %scan3A_35, %mul3A_36 : i32
      %add3A_38 = arith.constant 0 : i32
      %add3A_39 = arith.addi %mul3A_37, %add3A_38 : i32
      %mul3A_40 = arith.constant 800 : i32
      %mul3A_41 = arith.muli %add3A_39, %mul3A_40 : i32
      %add3A_42 = arith.addi %mul3A_2, %mul3A_41 : i32
      %ge3A = arith.constant 1 : i32
      %ge3A_43 = arith.cmpi sge, %add3A_39, %ge3A : i32
      %convert_element_type3A = arith.extui %ge3A_43 : i1 to i32
      %cond3A = arith.constant 0 : i32
      %cond3A_44 = arith.cmpi ne, %convert_element_type3A, %cond3A : i32
      scf.if %cond3A_44 {
        %sub3A = arith.constant 800 : i32
        %sub3A_130 = arith.subi %add3A_42, %sub3A : i32
        %dma_wait3A_131 = arith.constant 1 : i32
        %dma_wait3A_132 = arith.constant 0 : i32
        %dma_wait3A_133 = arith.constant 0 : i32
        %dma_wait3A_134 = tpu.memref_slice %arg6[%dma_wait3A_131, %dma_wait3A_132, %dma_wait3A_133] : memref<2x800x64xf32, #tpu.memory_space<vmem>> -> memref<1x800x64xf32, #tpu.memory_space<vmem>>
        %dma_wait3A_135 = tpu.memref_squeeze %dma_wait3A_134 : memref<1x800x64xf32, #tpu.memory_space<vmem>> -> memref<800x64xf32, #tpu.memory_space<vmem>>
        %dma_wait3A_136 = arith.constant 0 : i32
        %dma_wait3A_137 = tpu.memref_slice %arg4[%sub3A_130, %dma_wait3A_136] : memref<819200x128xf32, #tpu.memory_space<hbm>> -> memref<800x64xf32, #tpu.memory_space<hbm>>
        %dma_wait3A_138 = arith.constant 0 : i32
        %dma_wait3A_139 = tpu.memref_slice %arg4[%sub3A_130, %dma_wait3A_138] : memref<819200x128xf32, #tpu.memory_space<hbm>> -> memref<800x64xf32, #tpu.memory_space<hbm>>
        %dma_wait3A_140 = arith.constant 0 : i32
        %dma_wait3A_141 = arith.constant 0 : i32
        %dma_wait3A_142 = tpu.memref_slice %arg6[%dma_wait3A_131, %dma_wait3A_140, %dma_wait3A_141] : memref<2x800x64xf32, #tpu.memory_space<vmem>> -> memref<1x800x64xf32, #tpu.memory_space<vmem>>
        %dma_wait3A_143 = tpu.memref_squeeze %dma_wait3A_142 : memref<1x800x64xf32, #tpu.memory_space<vmem>> -> memref<800x64xf32, #tpu.memory_space<vmem>>
        tpu.wait_dma2 semaphore(%arg10 : memref<!tpu.dma_semaphore, #tpu.memory_space<semaphore_mem>>) src(%dma_wait3A_143 : memref<800x64xf32, #tpu.memory_space<vmem>>) dst(%dma_wait3A_139 : memref<800x64xf32, #tpu.memory_space<hbm>>)
      } else {
      }
      %add3A_45 = arith.constant 1 : i32
      %add3A_46 = arith.addi %add3A_39, %add3A_45 : i32
      %lt3A = arith.constant 32 : i32
      %lt3A_47 = arith.cmpi slt, %add3A_46, %lt3A : i32
      %convert_element_type3A_48 = arith.extui %lt3A_47 : i1 to i32
      %cond3A_49 = arith.constant 0 : i32
      %cond3A_50 = arith.cmpi ne, %convert_element_type3A_48, %cond3A_49 : i32
      scf.if %cond3A_50 {
        %dma_start3A_130 = arith.constant 1 : i32
        %dma_start3A_131 = arith.constant 0 : i32
        %dma_start3A_132 = arith.constant 0 : i32
        %dma_start3A_133 = tpu.memref_slice %arg6[%dma_start3A_130, %dma_start3A_131, %dma_start3A_132] : memref<2x800x64xf32, #tpu.memory_space<vmem>> -> memref<1x800x64xf32, #tpu.memory_space<vmem>>
        %dma_start3A_134 = tpu.memref_squeeze %dma_start3A_133 : memref<1x800x64xf32, #tpu.memory_space<vmem>> -> memref<800x64xf32, #tpu.memory_space<vmem>>
        %dma_start3A_135 = arith.constant 800 : i32
        %dma_start3A_136 = tpu.memref_slice %arg5[%dma_start3A_135] : memref<1600xi32, #tpu.memory_space<vmem>> -> memref<800xi32, #tpu.memory_space<vmem>>
        %dma_start3A_137 = arith.constant 0 : i32
        %dma_start3A_138 = arith.constant 0 : i32
        %dma_start3A_139 = tpu.memref_slice %arg3[%dma_start3A_137, %dma_start3A_138] : memref<2000000x64xf32, #tpu.memory_space<hbm>> -> memref<2000000x64xf32, #tpu.memory_space<hbm>>
        tpu.enqueue_indirect_dma source(%dma_start3A_139 : memref<2000000x64xf32, #tpu.memory_space<hbm>>) target(%dma_start3A_134 : memref<800x64xf32, #tpu.memory_space<vmem>>) offsets(%dma_start3A_136 : memref<800xi32, #tpu.memory_space<vmem>>) semaphore(%arg8 : memref<!tpu.dma_semaphore, #tpu.memory_space<semaphore_mem>>)
      } else {
      }
      %dma_wait3A_51 = arith.constant 0 : i32
      %dma_wait3A_52 = arith.constant 0 : i32
      %dma_wait3A_53 = arith.constant 0 : i32
      %dma_wait3A_54 = tpu.memref_slice %arg6[%dma_wait3A_51, %dma_wait3A_52, %dma_wait3A_53] : memref<2x800x64xf32, #tpu.memory_space<vmem>> -> memref<1x800x64xf32, #tpu.memory_space<vmem>>
      %dma_wait3A_55 = tpu.memref_squeeze %dma_wait3A_54 : memref<1x800x64xf32, #tpu.memory_space<vmem>> -> memref<800x64xf32, #tpu.memory_space<vmem>>
      %dma_wait3A_56 = arith.constant 0 : i32
      %dma_wait3A_57 = tpu.memref_slice %arg5[%dma_wait3A_56] : memref<1600xi32, #tpu.memory_space<vmem>> -> memref<800xi32, #tpu.memory_space<vmem>>
      %dma_wait3A_58 = arith.constant 0 : i32
      %dma_wait3A_59 = arith.constant 0 : i32
      %dma_wait3A_60 = tpu.memref_slice %arg3[%dma_wait3A_58, %dma_wait3A_59] : memref<2000000x64xf32, #tpu.memory_space<hbm>> -> memref<2000000x64xf32, #tpu.memory_space<hbm>>
      tpu.wait_indirect_dma semaphore(%arg7 : memref<!tpu.dma_semaphore, #tpu.memory_space<semaphore_mem>>) src(%dma_wait3A_60 : memref<2000000x64xf32, #tpu.memory_space<hbm>>) dst(%dma_wait3A_55 : memref<800x64xf32, #tpu.memory_space<vmem>>)
      %dma_start3A_61 = arith.constant 0 : i32
      %dma_start3A_62 = arith.constant 0 : i32
      %dma_start3A_63 = arith.constant 0 : i32
      %dma_start3A_64 = tpu.memref_slice %arg6[%dma_start3A_61, %dma_start3A_62, %dma_start3A_63] : memref<2x800x64xf32, #tpu.memory_space<vmem>> -> memref<1x800x64xf32, #tpu.memory_space<vmem>>
      %dma_start3A_65 = tpu.memref_squeeze %dma_start3A_64 : memref<1x800x64xf32, #tpu.memory_space<vmem>> -> memref<800x64xf32, #tpu.memory_space<vmem>>
      %dma_start3A_66 = arith.constant 0 : i32
      %dma_start3A_67 = tpu.memref_slice %arg4[%add3A_42, %dma_start3A_66] : memref<819200x128xf32, #tpu.memory_space<hbm>> -> memref<800x64xf32, #tpu.memory_space<hbm>>
      %dma_start3A_68 = arith.constant 0 : i32
      %dma_start3A_69 = tpu.memref_slice %arg4[%add3A_42, %dma_start3A_68] : memref<819200x128xf32, #tpu.memory_space<hbm>> -> memref<800x64xf32, #tpu.memory_space<hbm>>
      %dma_start3A_70 = arith.constant 0 : i32
      %dma_start3A_71 = arith.constant 0 : i32
      %dma_start3A_72 = tpu.memref_slice %arg6[%dma_start3A_61, %dma_start3A_70, %dma_start3A_71] : memref<2x800x64xf32, #tpu.memory_space<vmem>> -> memref<1x800x64xf32, #tpu.memory_space<vmem>>
      %dma_start3A_73 = tpu.memref_squeeze %dma_start3A_72 : memref<1x800x64xf32, #tpu.memory_space<vmem>> -> memref<800x64xf32, #tpu.memory_space<vmem>>
      tpu.enqueue_dma source(%dma_start3A_73 : memref<800x64xf32, #tpu.memory_space<vmem>>) target(%dma_start3A_69 : memref<800x64xf32, #tpu.memory_space<hbm>>) target_semaphore(%arg9 : memref<!tpu.dma_semaphore, #tpu.memory_space<semaphore_mem>>)
      %add3A_74 = arith.constant 2 : i32
      %add3A_75 = arith.addi %add3A_39, %add3A_74 : i32
      %lt3A_76 = arith.constant 32 : i32
      %lt3A_77 = arith.cmpi slt, %add3A_75, %lt3A_76 : i32
      %convert_element_type3A_78 = arith.extui %lt3A_77 : i1 to i32
      %cond3A_79 = arith.constant 0 : i32
      %cond3A_80 = arith.cmpi ne, %convert_element_type3A_78, %cond3A_79 : i32
      scf.if %cond3A_80 {
        %add3A_130 = arith.constant 1600 : i32
        %add3A_131 = arith.addi %add3A_42, %add3A_130 : i32
        "tpu.region"() ({
          %run_scoped3A = tpu.sem_alloc : memref<!tpu.dma_semaphore, #tpu.memory_space<semaphore_mem>>
          %dma_start3A_132 = arith.constant 0 : i32
          %dma_start3A_133 = tpu.memref_slice %arg5[%dma_start3A_132] : memref<1600xi32, #tpu.memory_space<vmem>> -> memref<800xi32, #tpu.memory_space<vmem>>
          %dma_start3A_134 = tpu.memref_slice %arg2[%add3A_131] : memref<819200xi32, #tpu.memory_space<hbm>> -> memref<800xi32, #tpu.memory_space<hbm>>
          %dma_start3A_135 = arith.constant 0 : i32
          %dma_start3A_136 = tpu.memref_slice %arg5[%dma_start3A_135] : memref<1600xi32, #tpu.memory_space<vmem>> -> memref<800xi32, #tpu.memory_space<vmem>>
          %dma_start3A_137 = tpu.memref_slice %arg2[%add3A_131] : memref<819200xi32, #tpu.memory_space<hbm>> -> memref<800xi32, #tpu.memory_space<hbm>>
          tpu.enqueue_dma source(%dma_start3A_137 : memref<800xi32, #tpu.memory_space<hbm>>) target(%dma_start3A_136 : memref<800xi32, #tpu.memory_space<vmem>>) target_semaphore(%run_scoped3A : memref<!tpu.dma_semaphore, #tpu.memory_space<semaphore_mem>>)
          %dma_wait3A_138 = arith.constant 0 : i32
          %dma_wait3A_139 = tpu.memref_slice %arg5[%dma_wait3A_138] : memref<1600xi32, #tpu.memory_space<vmem>> -> memref<800xi32, #tpu.memory_space<vmem>>
          %dma_wait3A_140 = tpu.memref_slice %arg2[%add3A_131] : memref<819200xi32, #tpu.memory_space<hbm>> -> memref<800xi32, #tpu.memory_space<hbm>>
          %dma_wait3A_141 = arith.constant 0 : i32
          %dma_wait3A_142 = tpu.memref_slice %arg5[%dma_wait3A_141] : memref<1600xi32, #tpu.memory_space<vmem>> -> memref<800xi32, #tpu.memory_space<vmem>>
          %dma_wait3A_143 = tpu.memref_slice %arg2[%add3A_131] : memref<819200xi32, #tpu.memory_space<hbm>> -> memref<800xi32, #tpu.memory_space<hbm>>
          tpu.wait_dma2 semaphore(%run_scoped3A : memref<!tpu.dma_semaphore, #tpu.memory_space<semaphore_mem>>) src(%dma_wait3A_143 : memref<800xi32, #tpu.memory_space<hbm>>) dst(%dma_wait3A_142 : memref<800xi32, #tpu.memory_space<vmem>>)
          tpu.yield
        }) : () -> ()
      } else {
      }
      %mul3A_81 = arith.constant 2 : i32
      %mul3A_82 = arith.muli %scan3A_35, %mul3A_81 : i32
      %add3A_83 = arith.constant 1 : i32
      %add3A_84 = arith.addi %mul3A_82, %add3A_83 : i32
      %mul3A_85 = arith.constant 800 : i32
      %mul3A_86 = arith.muli %add3A_84, %mul3A_85 : i32
      %add3A_87 = arith.addi %mul3A_2, %mul3A_86 : i32
      %ge3A_88 = arith.constant 1 : i32
      %ge3A_89 = arith.cmpi sge, %add3A_84, %ge3A_88 : i32
      %convert_element_type3A_90 = arith.extui %ge3A_89 : i1 to i32
      %cond3A_91 = arith.constant 0 : i32
      %cond3A_92 = arith.cmpi ne, %convert_element_type3A_90, %cond3A_91 : i32
      scf.if %cond3A_92 {
        %sub3A = arith.constant 800 : i32
        %sub3A_130 = arith.subi %add3A_87, %sub3A : i32
        %dma_wait3A_131 = arith.constant 0 : i32
        %dma_wait3A_132 = arith.constant 0 : i32
        %dma_wait3A_133 = arith.constant 0 : i32
        %dma_wait3A_134 = tpu.memref_slice %arg6[%dma_wait3A_131, %dma_wait3A_132, %dma_wait3A_133] : memref<2x800x64xf32, #tpu.memory_space<vmem>> -> memref<1x800x64xf32, #tpu.memory_space<vmem>>
        %dma_wait3A_135 = tpu.memref_squeeze %dma_wait3A_134 : memref<1x800x64xf32, #tpu.memory_space<vmem>> -> memref<800x64xf32, #tpu.memory_space<vmem>>
        %dma_wait3A_136 = arith.constant 0 : i32
        %dma_wait3A_137 = tpu.memref_slice %arg4[%sub3A_130, %dma_wait3A_136] : memref<819200x128xf32, #tpu.memory_space<hbm>> -> memref<800x64xf32, #tpu.memory_space<hbm>>
        %dma_wait3A_138 = arith.constant 0 : i32
        %dma_wait3A_139 = tpu.memref_slice %arg4[%sub3A_130, %dma_wait3A_138] : memref<819200x128xf32, #tpu.memory_space<hbm>> -> memref<800x64xf32, #tpu.memory_space<hbm>>
        %dma_wait3A_140 = arith.constant 0 : i32
        %dma_wait3A_141 = arith.constant 0 : i32
        %dma_wait3A_142 = tpu.memref_slice %arg6[%dma_wait3A_131, %dma_wait3A_140, %dma_wait3A_141] : memref<2x800x64xf32, #tpu.memory_space<vmem>> -> memref<1x800x64xf32, #tpu.memory_space<vmem>>
        %dma_wait3A_143 = tpu.memref_squeeze %dma_wait3A_142 : memref<1x800x64xf32, #tpu.memory_space<vmem>> -> memref<800x64xf32, #tpu.memory_space<vmem>>
        tpu.wait_dma2 semaphore(%arg9 : memref<!tpu.dma_semaphore, #tpu.memory_space<semaphore_mem>>) src(%dma_wait3A_143 : memref<800x64xf32, #tpu.memory_space<vmem>>) dst(%dma_wait3A_139 : memref<800x64xf32, #tpu.memory_space<hbm>>)
      } else {
      }
      %add3A_93 = arith.constant 1 : i32
      %add3A_94 = arith.addi %add3A_84, %add3A_93 : i32
      %lt3A_95 = arith.constant 32 : i32
      %lt3A_96 = arith.cmpi slt, %add3A_94, %lt3A_95 : i32
      %convert_element_type3A_97 = arith.extui %lt3A_96 : i1 to i32
      %cond3A_98 = arith.constant 0 : i32
      %cond3A_99 = arith.cmpi ne, %convert_element_type3A_97, %cond3A_98 : i32
      scf.if %cond3A_99 {
        %dma_start3A_130 = arith.constant 0 : i32
        %dma_start3A_131 = arith.constant 0 : i32
        %dma_start3A_132 = arith.constant 0 : i32
        %dma_start3A_133 = tpu.memref_slice %arg6[%dma_start3A_130, %dma_start3A_131, %dma_start3A_132] : memref<2x800x64xf32, #tpu.memory_space<vmem>> -> memref<1x800x64xf32, #tpu.memory_space<vmem>>
        %dma_start3A_134 = tpu.memref_squeeze %dma_start3A_133 : memref<1x800x64xf32, #tpu.memory_space<vmem>> -> memref<800x64xf32, #tpu.memory_space<vmem>>
        %dma_start3A_135 = arith.constant 0 : i32
        %dma_start3A_136 = tpu.memref_slice %arg5[%dma_start3A_135] : memref<1600xi32, #tpu.memory_space<vmem>> -> memref<800xi32, #tpu.memory_space<vmem>>
        %dma_start3A_137 = arith.constant 0 : i32
        %dma_start3A_138 = arith.constant 0 : i32
        %dma_start3A_139 = tpu.memref_slice %arg3[%dma_start3A_137, %dma_start3A_138] : memref<2000000x64xf32, #tpu.memory_space<hbm>> -> memref<2000000x64xf32, #tpu.memory_space<hbm>>
        tpu.enqueue_indirect_dma source(%dma_start3A_139 : memref<2000000x64xf32, #tpu.memory_space<hbm>>) target(%dma_start3A_134 : memref<800x64xf32, #tpu.memory_space<vmem>>) offsets(%dma_start3A_136 : memref<800xi32, #tpu.memory_space<vmem>>) semaphore(%arg7 : memref<!tpu.dma_semaphore, #tpu.memory_space<semaphore_mem>>)
      } else {
      }
      %dma_wait3A_100 = arith.constant 1 : i32
      %dma_wait3A_101 = arith.constant 0 : i32
      %dma_wait3A_102 = arith.constant 0 : i32
      %dma_wait3A_103 = tpu.memref_slice %arg6[%dma_wait3A_100, %dma_wait3A_101, %dma_wait3A_102] : memref<2x800x64xf32, #tpu.memory_space<vmem>> -> memref<1x800x64xf32, #tpu.memory_space<vmem>>
      %dma_wait3A_104 = tpu.memref_squeeze %dma_wait3A_103 : memref<1x800x64xf32, #tpu.memory_space<vmem>> -> memref<800x64xf32, #tpu.memory_space<vmem>>
      %dma_wait3A_105 = arith.constant 800 : i32
      %dma_wait3A_106 = tpu.memref_slice %arg5[%dma_wait3A_105] : memref<1600xi32, #tpu.memory_space<vmem>> -> memref<800xi32, #tpu.memory_space<vmem>>
      %dma_wait3A_107 = arith.constant 0 : i32
      %dma_wait3A_108 = arith.constant 0 : i32
      %dma_wait3A_109 = tpu.memref_slice %arg3[%dma_wait3A_107, %dma_wait3A_108] : memref<2000000x64xf32, #tpu.memory_space<hbm>> -> memref<2000000x64xf32, #tpu.memory_space<hbm>>
      tpu.wait_indirect_dma semaphore(%arg8 : memref<!tpu.dma_semaphore, #tpu.memory_space<semaphore_mem>>) src(%dma_wait3A_109 : memref<2000000x64xf32, #tpu.memory_space<hbm>>) dst(%dma_wait3A_104 : memref<800x64xf32, #tpu.memory_space<vmem>>)
      %dma_start3A_110 = arith.constant 1 : i32
      %dma_start3A_111 = arith.constant 0 : i32
      %dma_start3A_112 = arith.constant 0 : i32
      %dma_start3A_113 = tpu.memref_slice %arg6[%dma_start3A_110, %dma_start3A_111, %dma_start3A_112] : memref<2x800x64xf32, #tpu.memory_space<vmem>> -> memref<1x800x64xf32, #tpu.memory_space<vmem>>
      %dma_start3A_114 = tpu.memref_squeeze %dma_start3A_113 : memref<1x800x64xf32, #tpu.memory_space<vmem>> -> memref<800x64xf32, #tpu.memory_space<vmem>>
      %dma_start3A_115 = arith.constant 0 : i32
      %dma_start3A_116 = tpu.memref_slice %arg4[%add3A_87, %dma_start3A_115] : memref<819200x128xf32, #tpu.memory_space<hbm>> -> memref<800x64xf32, #tpu.memory_space<hbm>>
      %dma_start3A_117 = arith.constant 0 : i32
      %dma_start3A_118 = tpu.memref_slice %arg4[%add3A_87, %dma_start3A_117] : memref<819200x128xf32, #tpu.memory_space<hbm>> -> memref<800x64xf32, #tpu.memory_space<hbm>>
      %dma_start3A_119 = arith.constant 0 : i32
      %dma_start3A_120 = arith.constant 0 : i32
      %dma_start3A_121 = tpu.memref_slice %arg6[%dma_start3A_110, %dma_start3A_119, %dma_start3A_120] : memref<2x800x64xf32, #tpu.memory_space<vmem>> -> memref<1x800x64xf32, #tpu.memory_space<vmem>>
      %dma_start3A_122 = tpu.memref_squeeze %dma_start3A_121 : memref<1x800x64xf32, #tpu.memory_space<vmem>> -> memref<800x64xf32, #tpu.memory_space<vmem>>
      tpu.enqueue_dma source(%dma_start3A_122 : memref<800x64xf32, #tpu.memory_space<vmem>>) target(%dma_start3A_118 : memref<800x64xf32, #tpu.memory_space<hbm>>) target_semaphore(%arg10 : memref<!tpu.dma_semaphore, #tpu.memory_space<semaphore_mem>>)
      %add3A_123 = arith.constant 2 : i32
      %add3A_124 = arith.addi %add3A_84, %add3A_123 : i32
      %lt3A_125 = arith.constant 32 : i32
      %lt3A_126 = arith.cmpi slt, %add3A_124, %lt3A_125 : i32
      %convert_element_type3A_127 = arith.extui %lt3A_126 : i1 to i32
      %cond3A_128 = arith.constant 0 : i32
      %cond3A_129 = arith.cmpi ne, %convert_element_type3A_127, %cond3A_128 : i32
      scf.if %cond3A_129 {
        %add3A_130 = arith.constant 1600 : i32
        %add3A_131 = arith.addi %add3A_87, %add3A_130 : i32
        "tpu.region"() ({
          %run_scoped3A = tpu.sem_alloc : memref<!tpu.dma_semaphore, #tpu.memory_space<semaphore_mem>>
          %dma_start3A_132 = arith.constant 800 : i32
          %dma_start3A_133 = tpu.memref_slice %arg5[%dma_start3A_132] : memref<1600xi32, #tpu.memory_space<vmem>> -> memref<800xi32, #tpu.memory_space<vmem>>
          %dma_start3A_134 = tpu.memref_slice %arg2[%add3A_131] : memref<819200xi32, #tpu.memory_space<hbm>> -> memref<800xi32, #tpu.memory_space<hbm>>
          %dma_start3A_135 = arith.constant 800 : i32
          %dma_start3A_136 = tpu.memref_slice %arg5[%dma_start3A_135] : memref<1600xi32, #tpu.memory_space<vmem>> -> memref<800xi32, #tpu.memory_space<vmem>>
          %dma_start3A_137 = tpu.memref_slice %arg2[%add3A_131] : memref<819200xi32, #tpu.memory_space<hbm>> -> memref<800xi32, #tpu.memory_space<hbm>>
          tpu.enqueue_dma source(%dma_start3A_137 : memref<800xi32, #tpu.memory_space<hbm>>) target(%dma_start3A_136 : memref<800xi32, #tpu.memory_space<vmem>>) target_semaphore(%run_scoped3A : memref<!tpu.dma_semaphore, #tpu.memory_space<semaphore_mem>>)
          %dma_wait3A_138 = arith.constant 800 : i32
          %dma_wait3A_139 = tpu.memref_slice %arg5[%dma_wait3A_138] : memref<1600xi32, #tpu.memory_space<vmem>> -> memref<800xi32, #tpu.memory_space<vmem>>
          %dma_wait3A_140 = tpu.memref_slice %arg2[%add3A_131] : memref<819200xi32, #tpu.memory_space<hbm>> -> memref<800xi32, #tpu.memory_space<hbm>>
          %dma_wait3A_141 = arith.constant 800 : i32
          %dma_wait3A_142 = tpu.memref_slice %arg5[%dma_wait3A_141] : memref<1600xi32, #tpu.memory_space<vmem>> -> memref<800xi32, #tpu.memory_space<vmem>>
          %dma_wait3A_143 = tpu.memref_slice %arg2[%add3A_131] : memref<819200xi32, #tpu.memory_space<hbm>> -> memref<800xi32, #tpu.memory_space<hbm>>
          tpu.wait_dma2 semaphore(%run_scoped3A : memref<!tpu.dma_semaphore, #tpu.memory_space<semaphore_mem>>) src(%dma_wait3A_143 : memref<800xi32, #tpu.memory_space<hbm>>) dst(%dma_wait3A_142 : memref<800xi32, #tpu.memory_space<vmem>>)
          tpu.yield
        }) : () -> ()
      } else {
      }
    }
    %scan3A_20 = arith.constant 16 : i32
    %add3A_21 = arith.constant 24800 : i32
    %add3A_22 = arith.addi %mul3A_2, %add3A_21 : i32
    %dma_wait3A = arith.constant 1 : i32
    %dma_wait3A_23 = arith.constant 0 : i32
    %dma_wait3A_24 = arith.constant 0 : i32
    %dma_wait3A_25 = tpu.memref_slice %arg6[%dma_wait3A, %dma_wait3A_23, %dma_wait3A_24] : memref<2x800x64xf32, #tpu.memory_space<vmem>> -> memref<1x800x64xf32, #tpu.memory_space<vmem>>
    %dma_wait3A_26 = tpu.memref_squeeze %dma_wait3A_25 : memref<1x800x64xf32, #tpu.memory_space<vmem>> -> memref<800x64xf32, #tpu.memory_space<vmem>>
    %dma_wait3A_27 = arith.constant 0 : i32
    %dma_wait3A_28 = tpu.memref_slice %arg4[%add3A_22, %dma_wait3A_27] : memref<819200x128xf32, #tpu.memory_space<hbm>> -> memref<800x64xf32, #tpu.memory_space<hbm>>
    %dma_wait3A_29 = arith.constant 0 : i32
    %dma_wait3A_30 = tpu.memref_slice %arg4[%add3A_22, %dma_wait3A_29] : memref<819200x128xf32, #tpu.memory_space<hbm>> -> memref<800x64xf32, #tpu.memory_space<hbm>>
    %dma_wait3A_31 = arith.constant 0 : i32
    %dma_wait3A_32 = arith.constant 0 : i32
    %dma_wait3A_33 = tpu.memref_slice %arg6[%dma_wait3A, %dma_wait3A_31, %dma_wait3A_32] : memref<2x800x64xf32, #tpu.memory_space<vmem>> -> memref<1x800x64xf32, #tpu.memory_space<vmem>>
    %dma_wait3A_34 = tpu.memref_squeeze %dma_wait3A_33 : memref<1x800x64xf32, #tpu.memory_space<vmem>> -> memref<800x64xf32, #tpu.memory_space<vmem>>
    tpu.wait_dma2 semaphore(%arg10 : memref<!tpu.dma_semaphore, #tpu.memory_space<semaphore_mem>>) src(%dma_wait3A_34 : memref<800x64xf32, #tpu.memory_space<vmem>>) dst(%dma_wait3A_30 : memref<800x64xf32, #tpu.memory_space<hbm>>)
    return
  }
}

</mosaic_0001>

<sc_bundles>
// kernel: kernel.4.cloned.1.call-start
scs
__scs_entry_jumppad:
0x0: {  	(pc) =	sbr.rel $0x88, $3  }
0x1: {  	(tag) =	ssettag $0x0;
	lr =	simm.s32 $0x1  }
0x2: {  	[smem:$0x3F9E] =	sst lr;
	_ =	strace $0xD0000000  }
0x3: {  	_ = 	snop  }
0x4: {  	_ = 	snop  }
0x5: {  	_ = 	snop  }
0x6: {  	_ = 	snop  }
0x7: {  	_ = 	snop  }
__scs_overlays_trampoline_lowered:
0x8: {  	[smem:$0x3FAD] =	sst s0  }
0x9: {  	[smem:$0x3FAE] =	sst s1  }
0xa: {  	[smem:$0x3FAF] =	sst s2  }
0xb: {  	[smem:$0x3FB0] =	sst s3  }
0xc: {  	[smem:$0x3FB1] =	sst s4  }
0xd: {  	[smem:$0x3FB2] =	sst s5  }
0xe: {  	[smem:$0x3FB3] =	sst s6  }
0xf: {  	[smem:$0x3FB4] =	sst s7  }
0x10: {  	[smem:$0x3FB5] =	sst s8  }
0x11: {  	[smem:$0x3FB6] =	sst s9;
	s0 =	simm.s32 @!p0 $0x0  }
0x12: {  	s1 =	sld [smem:$0x3F9C];
	s0 =	simm.s32 @p0 $0x1  }
0x13: {  	[smem:$0x3FB7] =	sst s0;
	s0 =	simm.s32 @!p1 $0x0  }
0x14: {  	s2 =	sld [smem:$0x3F9B];
	s0 =	simm.s32 @p1 $0x1  }
0x15: {  	[smem:$0x3FB8] =	sst s0;
	s0 =	simm.s32 @!p2 $0x0  }
0x16: {  	s3 =	sld [smem:$0x3FDB];
	s0 =	simm.s32 @p2 $0x1  }
0x17: {  	s4 =	simm.s32 $0x1BF5;
	[smem:$0x3FBA] =	sst s0  }
0x18: {  	s0 =	sld [smem:$0x3F9D];
	_ =	swait.ge [sflag:s4], $0x0  }
0x19: {  	s7 =	sld [smem:$0x3F9E]  }
0x1a: {  	s8 =	sadd.s32 $0xFFFFE003, lr  }
0x1b: {  	s9 =	sadd.s32 $0xFFFFFEF7, lr;
	s5 =	simm.s32 $0xFFFFFFFF;
	p2 =	slt.u32 s8, $0xFFFFF086  }
0x1c: {  	p1 =	slt.u32 s9, $0xF7A;
	s5 =	simm.s32 @!p2 $0x0  }
0x1d: {  	s5 =	simm.s32 @p1 $0x1;
	p0 =	seq.s32 s7, s2  }
0x1e: {  	s7 =	smul.u32 @!p0 $0xF7A, s2;
	p2 =	seq.s32 @!p0 s5, $0x0  }
0x1f: {  	s9 =	smul.u32 $0xF7A, s1;
	s8 =	simm.s32 @!p0 $0x1BF5;
	p2 =	por !p2, p0  }
0x20: {  	[sflag:s8] =	ssyncset.s32 @!p0 $0xFFFFF086;
	s6 =	sadd.s32 @!p0 s3, s7;
	s7 =	simm.s32 @!p0 $0x108  }
0x21: {  	s3 =	sadd.s32 s3, s9;
	s6 =	sadd.s32 @!p0 $0x88, s6;
	s7 =	simm.s32 @p2 $0x1082  }
0x22: {  	[simem:s7], [sflag:s8] =	dma.local @!p0 [hbm:s6], $0xF7A  }
0x23: {  	s9 =	sor.u32 $0xD0000000, s2;
	s6 =	simm.s32 $0x108;
	_ =	swait.ge @!p0 [sflag:s8], $0x0  }
0x24: {  	s3 =	sadd.s32 $0x88, s3;
	s6 =	simm.s32 @!p1 $0x1082;
	[sflag:s4] =	ssyncset.s32 $0xFFFFF086  }
0x25: {  	[simem:s6], [sflag:s4] =	dma.local [hbm:s3], $0xF7A  }
0x26: {  	[smem:$0x3F9E] =	sst s1;
	(tag) =	ssettag s2;
	_ =	strace s9  }
0x27: {  	s1 =	sld [smem:$0x3FAE]  }
0x28: {  	s2 =	sld [smem:$0x3FAF]  }
0x29: {  	s4 =	sld [smem:$0x3FB1]  }
0x2a: {  	p0 =	seq.s32 s5, $0x0;
	s5 =	sld [smem:$0x3FB2]  }
0x2b: {  	s6 =	sld [smem:$0x3FB3]  }
0x2c: {  	s7 =	sld [smem:$0x3FB4]  }
0x2d: {  	s3 =	simm.s32 $0x108;
	s8 =	sld [smem:$0x3FB5]  }
0x2e: {  	s3 =	simm.s32 @!p0 $0x1082;
	s9 =	sld [smem:$0x3FB6]  }
0x2f: {  	lr =	sadd.s32 s0, s3;
	s0 =	sld [smem:$0x3FAD]  }
0x30: {  	s3 =	sld [smem:$0x3FB0]  }
0x31: {  	[smem:$0x3FB9] =	sst s10  }
0x32: {  	s10 =	sld [smem:$0x3FB7];
	_ =	sdelay $0x3  }
0x33: {  	p0 =	seq.s32 s10, $0x1;
	s10 =	sld [smem:$0x3FB9];
	_ =	sdelay $0x3  }
0x34: {  	[smem:$0x3FB9] =	sst s10  }
0x35: {  	s10 =	sld [smem:$0x3FB8];
	_ =	sdelay $0x3  }
0x36: {  	p1 =	seq.s32 s10, $0x1;
	s10 =	sld [smem:$0x3FB9];
	_ =	sdelay $0x3  }
0x37: {  	[smem:$0x3FB9] =	sst s10  }
0x38: {  	s10 =	sld [smem:$0x3FBA]  }
0x39: {  	_ = 	snop;
	(pc) =	sbr.ind lr, $3  }
0x3a: {  	_ = 	snop  }
0x3b: {  	_ = 	snop  }
0x3c: {  	p2 =	seq.s32 s10, $0x1;
	s10 =	sld [smem:$0x3FB9]  }
0x3d: {  	_ =	shalt  }
0x3e: {  	_ =	shalt  }
0x3f: {  	_ =	shalt  }
0x40: {  	_ =	shalt  }
0x41: {  	_ =	shalt  }
0x42: {  	_ =	shalt  }
0x43: {  	_ =	shalt  }
0x44: {  	_ =	shalt  }
0x45: {  	_ =	shalt  }
0x46: {  	_ =	shalt  }
0x47: {  	_ =	shalt  }
0x48: {  	_ =	shalt  }
0x49: {  	_ =	shalt  }
0x4a: {  	_ =	shalt  }
0x4b: {  	_ =	shalt  }
0x4c: {  	_ =	shalt  }
0x4d: {  	_ =	shalt  }
0x4e: {  	_ =	shalt  }
0x4f: {  	_ =	shalt  }
0x50: {  	_ =	shalt  }
0x51: {  	_ =	shalt  }
0x52: {  	_ =	shalt  }
0x53: {  	_ =	shalt  }
0x54: {  	_ =	shalt  }
0x55: {  	_ =	shalt  }
0x56: {  	_ =	shalt  }
0x57: {  	_ =	shalt  }
0x58: {  	_ =	shalt  }
0x59: {  	_ =	shalt  }
0x5a: {  	_ =	shalt  }
0x5b: {  	_ =	shalt  }
0x5c: {  	_ =	shalt  }
0x5d: {  	_ =	shalt  }
0x5e: {  	_ =	shalt  }
0x5f: {  	_ =	shalt  }
0x60: {  	_ =	shalt  }
0x61: {  	_ =	shalt  }
0x62: {  	_ =	shalt  }
0x63: {  	_ =	shalt  }
0x64: {  	_ =	shalt  }
0x65: {  	_ =	shalt  }
0x66: {  	_ =	shalt  }
0x67: {  	_ =	shalt  }
0x68: {  	_ =	shalt  }
0x69: {  	_ =	shalt  }
0x6a: {  	_ =	shalt  }
0x6b: {  	_ =	shalt  }
0x6c: {  	_ =	shalt  }
0x6d: {  	_ =	shalt  }
0x6e: {  	_ =	shalt  }
0x6f: {  	_ =	shalt  }
0x70: {  	_ =	shalt  }
0x71: {  	_ =	shalt  }
0x72: {  	_ =	shalt  }
0x73: {  	_ =	shalt  }
0x74: {  	_ =	shalt  }
0x75: {  	_ =	shalt  }
0x76: {  	_ =	shalt  }
0x77: {  	_ =	shalt  }
0x78: {  	_ =	shalt  }
0x79: {  	_ =	shalt  }
0x7a: {  	_ =	shalt  }
0x7b: {  	_ =	shalt  }
0x7c: {  	_ =	shalt  }
0x7d: {  	_ =	shalt  }
0x7e: {  	_ =	shalt  }
0x7f: {  	_ =	shalt  }
0x80: {  	_ =	shalt  }
0x81: {  	_ =	shalt  }
0x82: {  	_ =	shalt  }
0x83: {  	_ =	shalt  }
0x84: {  	_ =	shalt  }
0x85: {  	_ =	shalt  }
0x86: {  	_ =	shalt  }
0x87: {  	_ =	shalt  }
.Lfunc_end0:
.L_simem_size_0:
called_computation.2_lowered:
.L_overlay_start_0:
0x88: {  	s2 =	sld [smem:$0x3FD9]  }
0x89: {  	s3 =	sld [smem:$0x3FFE];
	_ =	sdelay $0x1  }
0x8a: {  	s1 =	srdreg.scid  }
0x8b: {  	s0 =	sand.u32 $0x1, s1  }
0x8c: {  	s17 =	sshll.u32 s0, $0xA;
	s2 =	sadd.s32 s3, s2  }
0x8d: {  	s2 =	sadd.s32 s2, s17  }
0x8e: {  	[smem:$0x3FC5] =	sst s2  }
0x8f: {  	_ = 	snop  }
0x90: {  	s18 =	sld [smem:$0x3FD0];
	(tm) =	ssettm $0x1  }
0x91: {  	s19 =	sld [smem:$0x3FFB];
	_ =	sdelay $0x3  }
0x92: {  	_ =	strace s19  }
0x93: {  	s2 =	sld [smem:$0x3FFC];
	_ =	sdelay $0x3  }
0x94: {  	_ =	strace s2  }
0x95: {  	s2 =	sld [smem:$0x3FFD];
	_ =	sdelay $0x3  }
0x96: {  	_ =	strace s2  }
0x97: {  	_ =	strace $0x8FFFFFFF  }
0x98: {  	s20 =	sld [smem:$0x3FDB];
	_ =	sdelay $0x1  }
0x99: {  	s4 =	simm.s32 $_scs_section_size  }
0x9a: {  	s5 =	simm.s32 $_size__tile_overlayer_lowered;
	s6 =	simm.s32 $_tile_overlayer_lowered  }
0x9b: {  	s7 =	simm.s32 $0x1BFF;
	s21 =	sshll.u32 s6, $0x1;
	s4 =	sadd.s32 s4, s20  }
0x9c: {  	s22 =	simm.s32 $0x0;
	s5 =	sshll.u32 s5, $0x1;
	s6 =	sadd.s32 s21, s4  }
0x9d: {  	[timem:s22], [sflag:s7] =	dma.local [hbm:s6], s5  }
0x9e: {  	_ =	swait.ge [sflag:s7], s5  }
0x9f: {  	s5 =	ssub.s32 $0x0, s5;
	[sflag:s7] =	ssyncset.done $0x0  }
0xa0: {  	[sflag:s7] =	ssyncadd.s32 s5;
	_ =	sdelay $0x1  }
0xa1: {  	s23 =	simm.s32 $0x1B8B  }
0xa2: {  	_ =	swait.ge [sflag:s23], $0x1  }
0xa3: {  	[sflag:s23] =	ssyncset.done $0x0  }
0xa4: {  	[sflag:s23] =	ssyncadd.s32 $0xFFFFFFFF  }
0xa5: {  	s5 =	sld [smem:$0x0]  }
0xa6: {  	s6 =	sand.u32 $0xFFFFFFFE, s1  }
0xa7: {  	p0 =	sne.s32 s1, s6  }
0xa8: {  	s6 =	sshll.u32 @p0 s6, $0xE  }
0xa9: {  	s6 =	sadd.s32 @p0 $0x11B8D, s6;
	s7 =	sshll.u32 @p0 s5, $0x11  }
0xaa: {  	s6 =	sor.u32 @p0 s7, s6  }
0xab: {  	[sflag:s6] =	ssyncadd.remote.s32 @p0 $0x1;
	_ =	sdelay $0x1  }
0xac: {  	s6 =	simm.s32 @p0 $0x1B8D  }
0xad: {  	_ =	swait.eq @p0 [sflag:s6], $0x1  }
0xae: {  	[sflag:s6] =	ssyncadd.s32 @p0 $0xFFFFFFFF  }
0xaf: {  	s7 =	sshll.u32 @!p0 s1, $0xE  }
0xb0: {  	s7 =	sor.u32 @!p0 $0x4000, s7;
	s6 =	simm.s32 @!p0 $0x1B8D  }
0xb1: {  	s5 =	sshll.u32 @!p0 s5, $0x11;
	s7 =	sadd.s32 @!p0 $0x11B8D, s7;
	_ =	swait.eq @!p0 [sflag:s6], $0x1  }
0xb2: {  	s5 =	sor.u32 @!p0 s5, s7;
	[sflag:s6] =	ssyncadd.s32 @!p0 $0xFFFFFFFF  }
0xb3: {  	s25 =	simm.s32 $0x1B8E;
	s24 =	sld [smem:$0x3FFE];
	[sflag:s5] =	ssyncadd.remote.s32 @!p0 $0x1  }
0xb4: {  	s26 =	simm.s32 $execute0_lowered;
	[smem:$0x3FD2] =	sst s25  }
0xb5: {  	s6 =	sshll.u32 s26, $0x1;
	_ =	strace $0x80000049;
	[dreg:$0x1] =	wrdreg $0xFFFFFFFF  }
0xb6: {  	s28 =	simm.s32 $_size_execute0_lowered;
	s4 =	sadd.s32 s4, s6;
	[dreg:$0x0] =	wrdreg $0x0  }
0xb7: {  	s6 =	sshll.u32 s28, $0x1;
	[dreg:$0x2] =	wrdreg s4  }
0xb8: {  	[dreg:$0x3] =	wrdreg s6  }
0xb9: {  	[dreg:$0x4] =	wrdreg $0xC0  }
0xba: {  	_ =	task [dreg:s22], $0x5FFFF  }
0xbb: {  	[dreg:$0x1] =	wrdreg $0xFFFFFFFF  }
0xbc: {  	[dreg:$0x0] =	wrdreg $0x60  }
0xbd: {  	[dreg:$0x2] =	wrdreg s24  }
0xbe: {  	[dreg:$0x3] =	wrdreg s18  }
0xbf: {  	[dreg:$0x4] =	wrdreg $0xA  }
0xc0: {  	_ =	task.clear_ibuf [dreg:s22], $0x5FFFF;
	_ =	strace $0x90000049  }
0xc1: {  	s29 =	simm.s32 $0xA;
	_ =	strace $0x8000004B  }
0xc2: {  	_ =	swait.ge [sflag:s29], $0x1  }
0xc3: {  	[sflag:s29] =	ssyncadd.s32 $0xFFFFFFFF  }
0xc4: {  	_ =	strace $0x9000004B  }
0xc5: {  	_ =	sfence  }
0xc6: {  	s30 =	sld [smem:$0x0];
	_ =	sdelay $0x2  }
0xc7: {  	s31 =	sshll.u32 s1, $0xD;
	s1 =	sshrl.u32 s1, $0x2  }
0xc8: {  	s4 =	sand.u32 $0x4000, s31;
	s1 =	sadd.s32 s1, s30  }
0xc9: {  	s0 =	sor.u32 s4, s0;
	s1 =	sshll.u32 s1, $0x11  }
0xca: {  	s0 =	sor.u32 s1, s0  }
0xcb: {  	s0 =	sadd.s32 $0x8F2B, s0  }
0xcc: {  	[sflag:s0] =	ssyncadd.remote.s32 $0x1  }
0xcd: {  	_ =	sfence.sel $0xFFFF  }
0xce: {  	[dreg:$0x0] =	wrdreg $0xFFFFFFFF;
	(pc) =	sbr.abs _section_cstart, $3  }
0xcf: {  	[dreg:$0x1] =	wrdreg $0xFFFFFFFF  }
0xd0: {  	_ =	task.clear_ibuf [dreg:s22], $0x2FFFF;
	_ =	strace $0x9FFFFFFF  }
0xd1: {  	(tm) =	ssettm $0x7FFFFFFF  }
tec
execute0_lowered:
.L_overlay_start_1:
0x0: {  	(tag) =	ssettag $0x1  }
0x1: {  	s4 =	rddreg [dreg:$0x0]  }
0x2: {  	s2 =	rddreg [dreg:$0x1]  }
0x3: {  	s0 =	rddreg [dreg:$0x2]  }
0x4: {  	s5 =	srdreg.scid;
	s1 =	stileid.u32  }
0x5: {  	s3 =	simm.s32 $0x0;
	s17 =	simm.s32 $0x640;
	s18 =	simm.s32 $0xC80  }
0x6: {  	s19 =	simm.s32 $0x12C0;
	s20 =	simm.s32 $0x1;
	s21 =	simm.s32 $0x6  }
0x7: {  	s22 =	simm.s32 $0x2;
	s23 =	simm.s32 $0x3;
	s24 =	simm.s32 $0x4  }
0x8: {  	s25 =	simm.s32 $0x0;
	s6 =	sand.u32 $0x1, s5;
	s30 =	sshll.u32 s1, $0x1  }
0x9: {  	[smem:$0x7FF] =	sst s3;
	s15 =	sadd.s32 $0xF43800, s4;
	s11 =	smul.u32 $0xC800, s1  }
0xa: {  	s5 =	sor.u32 s6, s30;
	s7 =	ssub.s32 $0x2, s6;
	s12 =	smul.u32 $0x6400, s6  }
0xb: {  	s4 =	sadd.s32 $0xF5C800, s4;
	s5 =	smul.u32 $0x6400, s5;
	s8 =	sshrl.u32 s7, $0x1  }
0xc: {  	_ =	strace $0x8000004A;
	s7 =	ssub.s32 s7, s8;
	s14 =	sadd.s32 s12, s11  }
0xd: {  	s31 =	sshrl.u32 s5, $0x3;
	s7 =	smax.u32 s7, $0x1;
	s12 =	sadd.s32 $0x12C0, s14  }
0xe: {  	s13 =	sadd.s32 $0x1F40, s14;
	s16 =	sadd.s32 $0x1900, s14;
	s14 =	sadd.s32 $0xC80, s14  }
.Ltmp0:
0xf: {  	s5 =	sadd.s32 s15, s31;
	s10 =	sadd.s32 $0xC8, s31;
	(pc) =	sbr.rel .LBB2_1-.Ltmp0, $4  }
0x10: {  	s8 =	sadd.s32 s4, s31;
	s12 =	sshrl.u32 s12, $0x3;
	s13 =	sshrl.u32 s13, $0x3  }
0x11: {  	s16 =	sshrl.u32 s16, $0x3;
	s6 =	sadd.s32 s15, s10;
	s9 =	sadd.s32 $0x190, s5  }
0x12: {  	s10 =	sadd.s32 s4, s10;
	s11 =	sadd.s32 $0x258, s5;
	s12 =	sadd.s32 s12, s4  }
0x13: {  	s13 =	sadd.s32 s13, s15;
	s15 =	sadd.s32 s16, s15;
	s16 =	simm.s32 $0x5  }
.LBB2_4:
0x14: {  	s25 =	sadd.s32 $0x1, s25  }
0x15: {  	_ =	swait.ge [sflag:s23], $0x640;
	p0 =	sne.s32 s25, s7  }
.Ltmp1:
0x16: {  	[sflag:s23] =	ssyncset.done $0x0;
	(pc) =	sbr.rel @!p0 .LBB2_5-.Ltmp1, $4  }
0x17: {  	[sflag:s23] =	ssyncadd.s32 $0xFFFFF9C0  }
0x18: {  	_ =	swait.ge [sflag:s24], $0x640  }
0x19: {  	[sflag:s24] =	ssyncset.done $0x0  }
0x1a: {  	[sflag:s24] =	ssyncadd.s32 $0xFFFFF9C0  }
.LBB2_1:
0x1b: {  	[tilespmem:s3], [sflag:$0x5] =	stream.linear.gather [hbm4b:s5+s3], $0x640, $0x38;
	[tilespmem:$0x1900] =	vst v63  }
0x1c: {  	_ =	swait.ge [sflag:s16], $0x640  }
0x1d: {  	[sflag:s16] =	ssyncset.done $0x0  }
0x1e: {  	[sflag:s16] =	ssyncadd.s32 $0xFFFFF9C0  }
0x1f: {  	[tilespmem:s18], [sflag:$0x1] =	stream.indirect.gather [hbm4b:s2+s17], $0x1, s3, s17, $0xb8;
	[tilespmem:$0x1900] =	vst v63  }
0x20: {  	_ = 	snop  }
0x21: {  	[tilespmem:s17], [sflag:$0x5] =	stream.linear.gather [hbm4b:s6+s3], $0x640, $0x38;
	[tilespmem:$0x1900] =	vst v63  }
0x22: {  	_ =	swait.ge [sflag:s16], $0x640  }
0x23: {  	[sflag:s16] =	ssyncset.done $0x0  }
0x24: {  	[sflag:s16] =	ssyncadd.s32 $0xFFFFF9C0  }
0x25: {  	[tilespmem:s19], [sflag:$0x2] =	stream.indirect.gather [hbm4b:s2+s17], $0x1, s17, s17, $0xb8;
	[tilespmem:$0x1900] =	vst v63  }
0x26: {  	_ =	swait.ge [sflag:s20], $0x640  }
0x27: {  	[sflag:s20] =	ssyncset.done $0x0  }
0x28: {  	[sflag:s20] =	ssyncadd.s32 $0xFFFFF9C0  }
0x29: {  	[hbm4b:s8+s3] =	stream.linear.scatter [tilespmem:s18], [sflag:$0x3], $0x640, $0x38;
	[tilespmem:$0x1900] =	vst v63  }
0x2a: {  	_ = 	snop  }
0x2b: {  	[tilespmem:s3], [sflag:$0x6] =	stream.linear.gather [hbm4b:s9+s3], $0x640, $0x38;
	[tilespmem:$0x1900] =	vst v63  }
0x2c: {  	_ =	swait.ge [sflag:s21], $0x640  }
0x2d: {  	[sflag:s21] =	ssyncset.done $0x0  }
0x2e: {  	[sflag:s21] =	ssyncadd.s32 $0xFFFFF9C0  }
0x2f: {  	_ =	swait.ge [sflag:s22], $0x640  }
0x30: {  	[sflag:s22] =	ssyncset.done $0x0  }
0x31: {  	[sflag:s22] =	ssyncadd.s32 $0xFFFFF9C0  }
0x32: {  	[hbm4b:s10+s3] =	stream.linear.scatter [tilespmem:s19], [sflag:$0x4], $0x640, $0x38;
	[tilespmem:$0x1900] =	vst v63  }
0x33: {  	_ = 	snop  }
0x34: {  	[tilespmem:s17], [sflag:$0x5] =	stream.linear.gather [hbm4b:s11+s3], $0x640, $0x38;
	[tilespmem:$0x1900] =	vst v63  }
0x35: {  	_ =	swait.ge [sflag:s16], $0x640  }
0x36: {  	[sflag:s16] =	ssyncset.done $0x0  }
0x37: {  	s26 =	smov.u32 s14;
	s28 =	simm.s32 $0x0;
	[sflag:s16] =	ssyncadd.s32 $0xFFFFF9C0  }
.LBB2_2:
0x38: {  	_ =	swait.ge [sflag:s23], $0x640  }
0x39: {  	[sflag:s23] =	ssyncset.done $0x0  }
0x3a: {  	[sflag:s23] =	ssyncadd.s32 $0xFFFFF9C0  }
0x3b: {  	[tilespmem:s18], [sflag:$0x1] =	stream.indirect.gather [hbm4b:s2+s17], $0x1, s3, s17, $0xb8;
	[tilespmem:$0x1900] =	vst v63  }
0x3c: {  	_ =	swait.ge [sflag:s20], $0x640  }
0x3d: {  	s29 =	sshrl.u32 s26, $0x3;
	[sflag:s20] =	ssyncset.done $0x0  }
0x3e: {  	p0 =	seq.s32 s28, $0x960;
	s29 =	sadd.s32 s4, s29;
	[sflag:s20] =	ssyncadd.s32 $0xFFFFF9C0  }
0x3f: {  	[hbm4b:s29+s3] =	stream.linear.scatter [tilespmem:s18], [sflag:$0x3], $0x640, $0x38;
	[tilespmem:$0x1900] =	vst v63  }
0x40: {  	s30 =	simm.s32 @!p0 $0x0;
	s29 =	sadd.s32 @!p0 s28, s15  }
0x41: {  	[tilespmem:s30], [sflag:$0x6] =	stream.linear.gather @!p0 [hbm4b:s29+s30], $0x640, $0x38;
	[tilespmem:$0x1900] =	vst v63  }
0x42: {  	s29 =	simm.s32 @!p0 $0x6  }
0x43: {  	_ =	swait.ge @!p0 [sflag:s29], $0x640  }
0x44: {  	[sflag:s29] =	ssyncset.done @!p0 $0x0  }
0x45: {  	[sflag:s29] =	ssyncadd.s32 @!p0 $0xFFFFF9C0  }
0x46: {  	_ =	swait.ge [sflag:s24], $0x640  }
0x47: {  	[sflag:s24] =	ssyncset.done $0x0  }
0x48: {  	[sflag:s24] =	ssyncadd.s32 $0xFFFFF9C0  }
0x49: {  	[tilespmem:s19], [sflag:$0x2] =	stream.indirect.gather [hbm4b:s2+s17], $0x1, s17, s17, $0xb8;
	[tilespmem:$0x1900] =	vst v63  }
.Ltmp2:
0x4a: {  	_ = 	snop;
	(pc) =	sbr.rel @p0 .LBB2_4-.Ltmp2, $4  }
0x4b: {  	_ =	swait.ge [sflag:s22], $0x640  }
0x4c: {  	[sflag:s22] =	ssyncset.done $0x0  }
0x4d: {  	s31 =	sadd.s32 s28, s12;
	[sflag:s22] =	ssyncadd.s32 $0xFFFFF9C0  }
0x4e: {  	[hbm4b:s31+s3] =	stream.linear.scatter [tilespmem:s19], [sflag:$0x4], $0x640, $0x38;
	[tilespmem:$0x1900] =	vst v63  }
.Ltmp3:
0x4f: {  	s29 =	sadd.s32 s28, s13;
	(pc) =	sbr.rel .LBB2_2-.Ltmp3, $4  }
0x50: {  	[tilespmem:s17], [sflag:$0x5] =	stream.linear.gather [hbm4b:s29+s3], $0x640, $0x38;
	[tilespmem:$0x1900] =	vst v63  }
0x51: {  	_ =	swait.ge [sflag:s16], $0x640  }
0x52: {  	[sflag:s16] =	ssyncset.done $0x0  }
0x53: {  	s28 =	sadd.s32 $0x190, s28;
	s26 =	sadd.s32 $0xC80, s26;
	[sflag:s16] =	ssyncadd.s32 $0xFFFFF9C0  }
.LBB2_5:
0x54: {  	_ =	sfence.sel $0x180000  }
0x55: {  	[bflag:$0x0] =	sbarrier.arrive $0xFFFF  }
0x56: {  	p0 =	sne.s32 s1, $0x0;
	_ =	strace $0x9000004A  }
0x57: {  	s0 =	sadd.s32 @!p0 $0x100000, s0;
	[bflag:$0x2] =	sbarrier.arrive $0xFFFF  }
0x58: {  	[sflag:s0] =	ssyncadd.tile.s32 @!p0 $0x1;
	_ =	shalt  }
.Lfunc_end2:
_tile_overlayer_lowered:
.L_overlay_start_2:
0x59: {  	(tag) =	ssettag $0x2  }
0x5a: {  	s0 =	rddreg [dreg:$0x0];
	s2 =	stileid.u32  }
0x5b: {  	s1 =	rddreg [dreg:$0x1];
	p0 =	sne.s32 s2, $0x0  }
0x5c: {  	s3 =	rddreg [dreg:$0x2];
	[bflag:$0x3] =	sbarrier.arrive $0xFFFF;
	s2 =	simm.s32 @!p0 $0x1C05  }
0x5d: {  	[timem:s3], [sflag:s2] =	dma.local @!p0 [hbm:s0], s1  }
0x5e: {  	s0 =	simm.s32 @!p0 $0x5  }
0x5f: {  	_ =	swait.ge @!p0 [sflag:s0], s1  }
0x60: {  	s1 =	ssub.s32 @!p0 $0x0, s1;
	[sflag:s0] =	ssyncset.done @!p0 $0x0  }
0x61: {  	[sflag:s0] =	ssyncadd.s32 @!p0 s1  }
0x62: {  	[bflag:$0x3] =	sbarrier.arrive $0xFFFF  }
0x63: {  	_ =	shalt  }

// kernel: kernel.7.cloned.1.call-start
scs
__scs_entry_jumppad:
0x0: {  	(pc) =	sbr.rel $0x88, $3  }
0x1: {  	(tag) =	ssettag $0x0;
	lr =	simm.s32 $0x1  }
0x2: {  	[smem:$0x3F9E] =	sst lr;
	_ =	strace $0xD0000000  }
0x3: {  	_ = 	snop  }
0x4: {  	_ = 	snop  }
0x5: {  	_ = 	snop  }
0x6: {  	_ = 	snop  }
0x7: {  	_ = 	snop  }
__scs_overlays_trampoline_lowered:
0x8: {  	[smem:$0x3FAD] =	sst s0  }
0x9: {  	[smem:$0x3FAE] =	sst s1  }
0xa: {  	[smem:$0x3FAF] =	sst s2  }
0xb: {  	[smem:$0x3FB0] =	sst s3  }
0xc: {  	[smem:$0x3FB1] =	sst s4  }
0xd: {  	[smem:$0x3FB2] =	sst s5  }
0xe: {  	[smem:$0x3FB3] =	sst s6  }
0xf: {  	[smem:$0x3FB4] =	sst s7  }
0x10: {  	[smem:$0x3FB5] =	sst s8  }
0x11: {  	[smem:$0x3FB6] =	sst s9;
	s0 =	simm.s32 @!p0 $0x0  }
0x12: {  	s1 =	sld [smem:$0x3F9C];
	s0 =	simm.s32 @p0 $0x1  }
0x13: {  	[smem:$0x3FB7] =	sst s0;
	s0 =	simm.s32 @!p1 $0x0  }
0x14: {  	s2 =	sld [smem:$0x3F9B];
	s0 =	simm.s32 @p1 $0x1  }
0x15: {  	[smem:$0x3FB8] =	sst s0;
	s0 =	simm.s32 @!p2 $0x0  }
0x16: {  	s3 =	sld [smem:$0x3FDB];
	s0 =	simm.s32 @p2 $0x1  }
0x17: {  	s4 =	simm.s32 $0x1BF5;
	[smem:$0x3FBA] =	sst s0  }
0x18: {  	s0 =	sld [smem:$0x3F9D];
	_ =	swait.ge [sflag:s4], $0x0  }
0x19: {  	s7 =	sld [smem:$0x3F9E]  }
0x1a: {  	s8 =	sadd.s32 $0xFFFFE003, lr  }
0x1b: {  	s9 =	sadd.s32 $0xFFFFFEF7, lr;
	s5 =	simm.s32 $0xFFFFFFFF;
	p2 =	slt.u32 s8, $0xFFFFF086  }
0x1c: {  	p1 =	slt.u32 s9, $0xF7A;
	s5 =	simm.s32 @!p2 $0x0  }
0x1d: {  	s5 =	simm.s32 @p1 $0x1;
	p0 =	seq.s32 s7, s2  }
0x1e: {  	s7 =	smul.u32 @!p0 $0xF7A, s2;
	p2 =	seq.s32 @!p0 s5, $0x0  }
0x1f: {  	s9 =	smul.u32 $0xF7A, s1;
	s8 =	simm.s32 @!p0 $0x1BF5;
	p2 =	por !p2, p0  }
0x20: {  	[sflag:s8] =	ssyncset.s32 @!p0 $0xFFFFF086;
	s6 =	sadd.s32 @!p0 s3, s7;
	s7 =	simm.s32 @!p0 $0x108  }
0x21: {  	s3 =	sadd.s32 s3, s9;
	s6 =	sadd.s32 @!p0 $0x88, s6;
	s7 =	simm.s32 @p2 $0x1082  }
0x22: {  	[simem:s7], [sflag:s8] =	dma.local @!p0 [hbm:s6], $0xF7A  }
0x23: {  	s9 =	sor.u32 $0xD0000000, s2;
	s6 =	simm.s32 $0x108;
	_ =	swait.ge @!p0 [sflag:s8], $0x0  }
0x24: {  	s3 =	sadd.s32 $0x88, s3;
	s6 =	simm.s32 @!p1 $0x1082;
	[sflag:s4] =	ssyncset.s32 $0xFFFFF086  }
0x25: {  	[simem:s6], [sflag:s4] =	dma.local [hbm:s3], $0xF7A  }
0x26: {  	[smem:$0x3F9E] =	sst s1;
	(tag) =	ssettag s2;
	_ =	strace s9  }
0x27: {  	s1 =	sld [smem:$0x3FAE]  }
0x28: {  	s2 =	sld [smem:$0x3FAF]  }
0x29: {  	s4 =	sld [smem:$0x3FB1]  }
0x2a: {  	p0 =	seq.s32 s5, $0x0;
	s5 =	sld [smem:$0x3FB2]  }
0x2b: {  	s6 =	sld [smem:$0x3FB3]  }
0x2c: {  	s7 =	sld [smem:$0x3FB4]  }
0x2d: {  	s3 =	simm.s32 $0x108;
	s8 =	sld [smem:$0x3FB5]  }
0x2e: {  	s3 =	simm.s32 @!p0 $0x1082;
	s9 =	sld [smem:$0x3FB6]  }
0x2f: {  	lr =	sadd.s32 s0, s3;
	s0 =	sld [smem:$0x3FAD]  }
0x30: {  	s3 =	sld [smem:$0x3FB0]  }
0x31: {  	[smem:$0x3FB9] =	sst s10  }
0x32: {  	s10 =	sld [smem:$0x3FB7];
	_ =	sdelay $0x3  }
0x33: {  	p0 =	seq.s32 s10, $0x1;
	s10 =	sld [smem:$0x3FB9];
	_ =	sdelay $0x3  }
0x34: {  	[smem:$0x3FB9] =	sst s10  }
0x35: {  	s10 =	sld [smem:$0x3FB8];
	_ =	sdelay $0x3  }
0x36: {  	p1 =	seq.s32 s10, $0x1;
	s10 =	sld [smem:$0x3FB9];
	_ =	sdelay $0x3  }
0x37: {  	[smem:$0x3FB9] =	sst s10  }
0x38: {  	s10 =	sld [smem:$0x3FBA]  }
0x39: {  	_ = 	snop;
	(pc) =	sbr.ind lr, $3  }
0x3a: {  	_ = 	snop  }
0x3b: {  	_ = 	snop  }
0x3c: {  	p2 =	seq.s32 s10, $0x1;
	s10 =	sld [smem:$0x3FB9]  }
0x3d: {  	_ =	shalt  }
0x3e: {  	_ =	shalt  }
0x3f: {  	_ =	shalt  }
0x40: {  	_ =	shalt  }
0x41: {  	_ =	shalt  }
0x42: {  	_ =	shalt  }
0x43: {  	_ =	shalt  }
0x44: {  	_ =	shalt  }
0x45: {  	_ =	shalt  }
0x46: {  	_ =	shalt  }
0x47: {  	_ =	shalt  }
0x48: {  	_ =	shalt  }
0x49: {  	_ =	shalt  }
0x4a: {  	_ =	shalt  }
0x4b: {  	_ =	shalt  }
0x4c: {  	_ =	shalt  }
0x4d: {  	_ =	shalt  }
0x4e: {  	_ =	shalt  }
0x4f: {  	_ =	shalt  }
0x50: {  	_ =	shalt  }
0x51: {  	_ =	shalt  }
0x52: {  	_ =	shalt  }
0x53: {  	_ =	shalt  }
0x54: {  	_ =	shalt  }
0x55: {  	_ =	shalt  }
0x56: {  	_ =	shalt  }
0x57: {  	_ =	shalt  }
0x58: {  	_ =	shalt  }
0x59: {  	_ =	shalt  }
0x5a: {  	_ =	shalt  }
0x5b: {  	_ =	shalt  }
0x5c: {  	_ =	shalt  }
0x5d: {  	_ =	shalt  }
0x5e: {  	_ =	shalt  }
0x5f: {  	_ =	shalt  }
0x60: {  	_ =	shalt  }
0x61: {  	_ =	shalt  }
0x62: {  	_ =	shalt  }
0x63: {  	_ =	shalt  }
0x64: {  	_ =	shalt  }
0x65: {  	_ =	shalt  }
0x66: {  	_ =	shalt  }
0x67: {  	_ =	shalt  }
0x68: {  	_ =	shalt  }
0x69: {  	_ =	shalt  }
0x6a: {  	_ =	shalt  }
0x6b: {  	_ =	shalt  }
0x6c: {  	_ =	shalt  }
0x6d: {  	_ =	shalt  }
0x6e: {  	_ =	shalt  }
0x6f: {  	_ =	shalt  }
0x70: {  	_ =	shalt  }
0x71: {  	_ =	shalt  }
0x72: {  	_ =	shalt  }
0x73: {  	_ =	shalt  }
0x74: {  	_ =	shalt  }
0x75: {  	_ =	shalt  }
0x76: {  	_ =	shalt  }
0x77: {  	_ =	shalt  }
0x78: {  	_ =	shalt  }
0x79: {  	_ =	shalt  }
0x7a: {  	_ =	shalt  }
0x7b: {  	_ =	shalt  }
0x7c: {  	_ =	shalt  }
0x7d: {  	_ =	shalt  }
0x7e: {  	_ =	shalt  }
0x7f: {  	_ =	shalt  }
0x80: {  	_ =	shalt  }
0x81: {  	_ =	shalt  }
0x82: {  	_ =	shalt  }
0x83: {  	_ =	shalt  }
0x84: {  	_ =	shalt  }
0x85: {  	_ =	shalt  }
0x86: {  	_ =	shalt  }
0x87: {  	_ =	shalt  }
.Lfunc_end0:
.L_simem_size_0:
called_computation.3_lowered:
.L_overlay_start_0:
0x88: {  	s2 =	sld [smem:$0x3FD9]  }
0x89: {  	s3 =	sld [smem:$0x3FFE];
	_ =	sdelay $0x1  }
0x8a: {  	s1 =	srdreg.scid  }
0x8b: {  	s0 =	sand.u32 $0x1, s1  }
0x8c: {  	s16 =	sshll.u32 s0, $0xA;
	s2 =	sadd.s32 s3, s2  }
0x8d: {  	s2 =	sadd.s32 s2, s16  }
0x8e: {  	[smem:$0x3FC5] =	sst s2  }
0x8f: {  	_ = 	snop  }
0x90: {  	(tm) =	ssettm $0x1  }
0x91: {  	s17 =	sld [smem:$0x3FFB];
	_ =	sdelay $0x3  }
0x92: {  	_ =	strace s17  }
0x93: {  	s2 =	sld [smem:$0x3FFC];
	_ =	sdelay $0x3  }
0x94: {  	_ =	strace s2  }
0x95: {  	s2 =	sld [smem:$0x3FFD];
	_ =	sdelay $0x3  }
0x96: {  	_ =	strace s2  }
0x97: {  	_ =	strace $0x8FFFFFFF  }
0x98: {  	s18 =	sld [smem:$0x3FDB];
	_ =	sdelay $0x1  }
0x99: {  	s19 =	simm.s32 $_scs_section_size  }
0x9a: {  	s4 =	simm.s32 $_size__tile_overlayer_lowered;
	s5 =	simm.s32 $_tile_overlayer_lowered  }
0x9b: {  	s22 =	simm.s32 $0x1BFF;
	s21 =	sshll.u32 s5, $0x1;
	s2 =	sadd.s32 s19, s18  }
0x9c: {  	s6 =	simm.s32 $0x0;
	s20 =	sshll.u32 s4, $0x1;
	s4 =	sadd.s32 s21, s2  }
0x9d: {  	[timem:s6], [sflag:s22] =	dma.local [hbm:s4], s20  }
0x9e: {  	_ =	swait.ge [sflag:s22], s20  }
0x9f: {  	s3 =	ssub.s32 $0x0, s20;
	[sflag:s22] =	ssyncset.done $0x0  }
0xa0: {  	[sflag:s22] =	ssyncadd.s32 s3;
	_ =	sdelay $0x1  }
0xa1: {  	s23 =	simm.s32 $0x1B8B  }
0xa2: {  	_ =	swait.ge [sflag:s23], $0x1  }
0xa3: {  	[sflag:s23] =	ssyncset.done $0x0  }
0xa4: {  	s25 =	simm.s32 $0x1B8E;
	s24 =	sld [smem:$0x3FFE];
	[sflag:s23] =	ssyncadd.s32 $0xFFFFFFFF  }
0xa5: {  	s26 =	simm.s32 $execute0_lowered;
	[smem:$0x3FD2] =	sst s25  }
0xa6: {  	s4 =	sshll.u32 s26, $0x1;
	_ =	strace $0x8000004C;
	[dreg:$0x1] =	wrdreg $0xFFFFFFFF  }
0xa7: {  	s28 =	simm.s32 $_size_execute0_lowered;
	s2 =	sadd.s32 s2, s4;
	[dreg:$0x0] =	wrdreg $0x0  }
0xa8: {  	s4 =	sshll.u32 s28, $0x1;
	[dreg:$0x2] =	wrdreg s2  }
0xa9: {  	[dreg:$0x3] =	wrdreg s4  }
0xaa: {  	[dreg:$0x4] =	wrdreg $0xC0  }
0xab: {  	_ =	task [dreg:s6], $0x5FFFF  }
0xac: {  	[dreg:$0x1] =	wrdreg $0xFFFFFFFF  }
0xad: {  	[dreg:$0x0] =	wrdreg $0x60  }
0xae: {  	[dreg:$0x2] =	wrdreg s24  }
0xaf: {  	[dreg:$0x3] =	wrdreg $0x9  }
0xb0: {  	_ =	task.clear_ibuf [dreg:s6], $0x4FFFF;
	_ =	strace $0x9000004C  }
0xb1: {  	s29 =	simm.s32 $0x9;
	_ =	strace $0x8000004E  }
0xb2: {  	_ =	swait.ge [sflag:s29], $0x1  }
0xb3: {  	[sflag:s29] =	ssyncadd.s32 $0xFFFFFFFF  }
0xb4: {  	_ =	strace $0x9000004E  }
0xb5: {  	_ =	sfence  }
0xb6: {  	s30 =	sld [smem:$0x0];
	_ =	sdelay $0x2  }
0xb7: {  	s31 =	sshll.u32 s1, $0xD;
	s1 =	sshrl.u32 s1, $0x2  }
0xb8: {  	s3 =	sand.u32 $0x4000, s31;
	s1 =	sadd.s32 s1, s30  }
0xb9: {  	s0 =	sor.u32 s3, s0;
	s1 =	sshll.u32 s1, $0x11  }
0xba: {  	s0 =	sor.u32 s1, s0  }
0xbb: {  	s0 =	sadd.s32 $0x8F2B, s0  }
0xbc: {  	[sflag:s0] =	ssyncadd.remote.s32 $0x1  }
0xbd: {  	_ =	sfence.sel $0xFFFF  }
0xbe: {  	[dreg:$0x0] =	wrdreg $0xFFFFFFFF;
	(pc) =	sbr.abs _section_cstart, $3  }
0xbf: {  	[dreg:$0x1] =	wrdreg $0xFFFFFFFF  }
0xc0: {  	_ =	task.clear_ibuf [dreg:s6], $0x2FFFF;
	_ =	strace $0x9FFFFFFF  }
0xc1: {  	(tm) =	ssettm $0x7FFFFFFF  }
tec
execute0_lowered:
.L_overlay_start_1:
0x0: {  	(tag) =	ssettag $0x1  }
0x1: {  	s0 =	rddreg [dreg:$0x0];
	s2 =	simm.s32 $0x0;
	s3 =	srdreg.scid  }
0x2: {  	s1 =	stileid.u32;
	s18 =	simm.s32 $0x320;
	s19 =	simm.s32 $0x640  }
0x3: {  	s20 =	simm.s32 $0xCE40;
	s21 =	simm.s32 $0x1;
	s28 =	simm.s32 $0x4  }
0x4: {  	s29 =	simm.s32 $0x0;
	[smem:$0x7FF] =	sst s2;
	s11 =	smul.u32 $0xC800, s1  }
0x5: {  	s9 =	sand.u32 $0x1, s3;
	s14 =	sadd.s32 $0xF5C800, s0;
	s24 =	smul.u32 $0xC8000, s1  }
0x6: {  	s22 =	sshll.u32 s1, $0x1;
	s3 =	sadd.s32 $0xF75800, s0;
	s13 =	smul.u32 $0x6400, s9  }
0x7: {  	s4 =	sadd.s32 $0x1400, s0;
	s5 =	sor.u32 s9, s22;
	s26 =	smul.u32 $0x64000, s9  }
0x8: {  	_ =	strace $0x8000004D;
	s23 =	ssub.s32 $0x2, s9;
	s7 =	smul.u32 $0x6400, s5  }
0x9: {  	s22 =	simm.s32 $0x40;
	s6 =	sshrl.u32 s23, $0x1;
	s10 =	smul.u32 $0x64000, s5  }
0xa: {  	s0 =	ssub.s32 s23, s6;
	s15 =	sadd.s32 s13, s11;
	s23 =	simm.s32 $0x80  }
0xb: {  	s8 =	sshrl.u32 s7, $0x3;
	s12 =	sshll.u32 s7, $0x4;
	s7 =	smax.u32 s0, $0x1  }
0xc: {  	s13 =	sshll.u32 s15, $0x4;
	s31 =	sadd.s32 $0xFA0, s15;
	s15 =	sadd.s32 $0xC80, s15  }
0xd: {  	s5 =	sadd.s32 s14, s8;
	s8 =	sadd.s32 s4, s10;
	s25 =	sadd.s32 s12, s4  }
0xe: {  	s12 =	sadd.s32 s26, s24;
	s30 =	sadd.s32 s4, s13;
	s0 =	sshrl.u32 s31, $0x3  }
.Ltmp0:
0xf: {  	s17 =	sshrl.u32 s15, $0x3;
	s24 =	simm.s32 $0x6;
	(pc) =	sbr.rel .LBB2_1-.Ltmp0, $4  }
0x10: {  	s26 =	simm.s32 $0x2;
	s6 =	sadd.s32 $0x64, s5;
	s9 =	sadd.s32 $0xC8, s5  }
0x11: {  	s10 =	sadd.s32 $0x3200, s25;
	s11 =	sadd.s32 $0x12C, s5;
	s13 =	sadd.s32 $0x9600, s30  }
0x12: {  	s16 =	sadd.s32 s4, s12;
	s0 =	sadd.s32 s0, s14;
	s25 =	simm.s32 $0x3  }
0x13: {  	s15 =	sadd.s32 $0x6400, s16;
	s16 =	sadd.s32 s17, s14;
	s17 =	simm.s32 $0x5  }
.LBB2_4:
0x14: {  	s1 =	sadd.s32 s31, s12  }
0x15: {  	_ =	swait.ge [sflag:s26], $0xC800;
	s29 =	sadd.s32 $0x1, s29;
	s1 =	sadd.s32 $0x9600, s1  }
0x16: {  	[sflag:s26] =	ssyncset.done $0x0;
	p0 =	sne.s32 s29, s7;
	s1 =	sand.u32 $0x1FFFCE00, s1  }
.Ltmp1:
0x17: {  	[sflag:s26] =	ssyncadd.s32 $0xFFFF3800;
	s1 =	sadd.s32 s4, s1;
	(pc) =	sbr.rel @!p0 .LBB2_5-.Ltmp1, $4  }
0x18: {  	[hbm4b:s1+s22] =	stream.strided.scatter [tilespmem:s20], [sflag:$0x4], $0xC800, s23, s22, $0x38;
	[tilespmem:$0x19640] =	vst v63  }
0x19: {  	_ =	swait.ge [sflag:s28], $0xC800  }
0x1a: {  	[sflag:s28] =	ssyncset.done $0x0  }
0x1b: {  	[sflag:s28] =	ssyncadd.s32 $0xFFFF3800  }
.LBB2_1:
0x1c: {  	[tilespmem:s2], [sflag:$0x5] =	stream.linear.gather [hbm4b:s5+s2], $0x320, $0x38;
	[tilespmem:$0x19640] =	vst v63  }
0x1d: {  	_ =	swait.ge [sflag:s17], $0x320  }
0x1e: {  	[sflag:s17] =	ssyncset.done $0x0  }
0x1f: {  	[sflag:s17] =	ssyncadd.s32 $0xFFFFFCE0  }
0x20: {  	[tilespmem:s18], [sflag:$0x5] =	stream.linear.gather [hbm4b:s6+s2], $0x320, $0x38;
	[tilespmem:$0x19640] =	vst v63  }
0x21: {  	_ =	swait.ge [sflag:s17], $0x320  }
0x22: {  	[sflag:s17] =	ssyncset.done $0x0  }
0x23: {  	[sflag:s17] =	ssyncadd.s32 $0xFFFFFCE0  }
0x24: {  	[tilespmem:s19], [sflag:$0x1] =	stream.indirect.gather [hbm4b:s3+s18], $0x40, s2, s18, $0xb8;
	[tilespmem:$0x19640] =	vst v63  }
0x25: {  	_ = 	snop  }
0x26: {  	[tilespmem:s20], [sflag:$0x2] =	stream.indirect.gather [hbm4b:s3+s18], $0x40, s18, s18, $0xb8;
	[tilespmem:$0x19640] =	vst v63  }
0x27: {  	_ =	swait.ge [sflag:s21], $0xC800  }
0x28: {  	[sflag:s21] =	ssyncset.done $0x0  }
0x29: {  	[sflag:s21] =	ssyncadd.s32 $0xFFFF3800  }
0x2a: {  	[hbm4b:s8+s22] =	stream.strided.scatter [tilespmem:s19], [sflag:$0x3], $0xC800, s23, s22, $0x38;
	[tilespmem:$0x19640] =	vst v63  }
0x2b: {  	_ = 	snop  }
0x2c: {  	[tilespmem:s2], [sflag:$0x6] =	stream.linear.gather [hbm4b:s9+s2], $0x320, $0x38;
	[tilespmem:$0x19640] =	vst v63  }
0x2d: {  	_ =	swait.ge [sflag:s24], $0x320  }
0x2e: {  	[sflag:s24] =	ssyncset.done $0x0  }
0x2f: {  	[sflag:s24] =	ssyncadd.s32 $0xFFFFFCE0  }
0x30: {  	_ =	swait.ge [sflag:s25], $0xC800  }
0x31: {  	[sflag:s25] =	ssyncset.done $0x0  }
0x32: {  	[sflag:s25] =	ssyncadd.s32 $0xFFFF3800  }
0x33: {  	[tilespmem:s19], [sflag:$0x1] =	stream.indirect.gather [hbm4b:s3+s18], $0x40, s2, s18, $0xb8;
	[tilespmem:$0x19640] =	vst v63  }
0x34: {  	_ =	swait.ge [sflag:s26], $0xC800  }
0x35: {  	[sflag:s26] =	ssyncset.done $0x0  }
0x36: {  	[sflag:s26] =	ssyncadd.s32 $0xFFFF3800  }
0x37: {  	[hbm4b:s10+s22] =	stream.strided.scatter [tilespmem:s20], [sflag:$0x4], $0xC800, s23, s22, $0x38;
	[tilespmem:$0x19640] =	vst v63  }
0x38: {  	_ = 	snop  }
0x39: {  	[tilespmem:s18], [sflag:$0x5] =	stream.linear.gather [hbm4b:s11+s2], $0x320, $0x38;
	[tilespmem:$0x19640] =	vst v63  }
0x3a: {  	_ =	swait.ge [sflag:s17], $0x320  }
0x3b: {  	s30 =	smov.u32 s16;
	[sflag:s17] =	ssyncset.done $0x0  }
0x3c: {  	s14 =	smov.u32 s0;
	s31 =	simm.s32 $0x0;
	[sflag:s17] =	ssyncadd.s32 $0xFFFFFCE0  }
.LBB2_2:
0x3d: {  	_ =	swait.ge [sflag:s28], $0xC800  }
0x3e: {  	[sflag:s28] =	ssyncset.done $0x0  }
0x3f: {  	[sflag:s28] =	ssyncadd.s32 $0xFFFF3800  }
0x40: {  	[tilespmem:s20], [sflag:$0x2] =	stream.indirect.gather [hbm4b:s3+s18], $0x40, s18, s18, $0xb8;
	[tilespmem:$0x19640] =	vst v63  }
0x41: {  	_ =	swait.ge [sflag:s21], $0xC800  }
0x42: {  	[sflag:s21] =	ssyncset.done $0x0  }
0x43: {  	s1 =	sadd.s32 s31, s15;
	p0 =	seq.s32 s31, $0x57800;
	[sflag:s21] =	ssyncadd.s32 $0xFFFF3800  }
0x44: {  	[hbm4b:s1+s22] =	stream.strided.scatter [tilespmem:s19], [sflag:$0x3], $0xC800, s23, s22, $0x38;
	[tilespmem:$0x19640] =	vst v63  }
0x45: {  	s1 =	simm.s32 @!p0 $0x0  }
0x46: {  	[tilespmem:s1], [sflag:$0x6] =	stream.linear.gather @!p0 [hbm4b:s30+s1], $0x320, $0x38;
	[tilespmem:$0x19640] =	vst v63  }
0x47: {  	s1 =	simm.s32 @!p0 $0x6  }
0x48: {  	_ =	swait.ge @!p0 [sflag:s1], $0x320  }
.Ltmp2:
0x49: {  	[sflag:s1] =	ssyncset.done @!p0 $0x0;
	(pc) =	sbr.rel @p0 .LBB2_4-.Ltmp2, $4  }
0x4a: {  	[sflag:s1] =	ssyncadd.s32 @!p0 $0xFFFFFCE0  }
0x4b: {  	_ =	swait.ge [sflag:s25], $0xC800  }
0x4c: {  	[sflag:s25] =	ssyncset.done $0x0  }
0x4d: {  	[sflag:s25] =	ssyncadd.s32 $0xFFFF3800  }
0x4e: {  	[tilespmem:s19], [sflag:$0x1] =	stream.indirect.gather [hbm4b:s3+s18], $0x40, s2, s18, $0xb8;
	[tilespmem:$0x19640] =	vst v63  }
0x4f: {  	_ =	swait.ge [sflag:s26], $0xC800  }
0x50: {  	[sflag:s26] =	ssyncset.done $0x0  }
0x51: {  	s1 =	sadd.s32 s31, s13;
	[sflag:s26] =	ssyncadd.s32 $0xFFFF3800  }
0x52: {  	[hbm4b:s1+s22] =	stream.strided.scatter [tilespmem:s20], [sflag:$0x4], $0xC800, s23, s22, $0x38;
	[tilespmem:$0x19640] =	vst v63  }
.Ltmp3:
0x53: {  	_ = 	snop;
	(pc) =	sbr.rel .LBB2_2-.Ltmp3, $4  }
0x54: {  	[tilespmem:s18], [sflag:$0x5] =	stream.linear.gather [hbm4b:s14+s2], $0x320, $0x38;
	[tilespmem:$0x19640] =	vst v63  }
0x55: {  	_ =	swait.ge [sflag:s17], $0x320  }
0x56: {  	s31 =	sadd.s32 $0x6400, s31;
	[sflag:s17] =	ssyncset.done $0x0  }
0x57: {  	s30 =	sadd.s32 $0xC8, s30;
	s14 =	sadd.s32 $0xC8, s14;
	[sflag:s17] =	ssyncadd.s32 $0xFFFFFCE0  }
.LBB2_5:
0x58: {  	_ =	sfence.sel $0x180000  }
0x59: {  	[bflag:$0x0] =	sbarrier.arrive $0xFFFF  }
0x5a: {  	_ =	strace $0x9000004D  }
0x5b: {  	s0 =	stileid.u32;
	[bflag:$0x2] =	sbarrier.arrive $0xFFFF  }
0x5c: {  	p0 =	sne.s32 s0, $0x0;
	s0 =	rddreg [dreg:$0x1]  }
0x5d: {  	s0 =	sadd.s32 @!p0 $0x100000, s0  }
0x5e: {  	[sflag:s0] =	ssyncadd.tile.s32 @!p0 $0x1;
	_ =	shalt  }
.Lfunc_end2:
_tile_overlayer_lowered:
.L_overlay_start_2:
0x5f: {  	(tag) =	ssettag $0x2  }
0x60: {  	s0 =	rddreg [dreg:$0x0];
	s2 =	stileid.u32  }
0x61: {  	s1 =	rddreg [dreg:$0x1];
	p0 =	sne.s32 s2, $0x0  }
0x62: {  	s3 =	rddreg [dreg:$0x2];
	[bflag:$0x3] =	sbarrier.arrive $0xFFFF;
	s2 =	simm.s32 @!p0 $0x1C05  }
0x63: {  	[timem:s3], [sflag:s2] =	dma.local @!p0 [hbm:s0], s1  }
0x64: {  	s0 =	simm.s32 @!p0 $0x5  }
0x65: {  	_ =	swait.ge @!p0 [sflag:s0], s1  }
0x66: {  	s1 =	ssub.s32 @!p0 $0x0, s1;
	[sflag:s0] =	ssyncset.done @!p0 $0x0  }
0x67: {  	[sflag:s0] =	ssyncadd.s32 @!p0 s1  }
0x68: {  	[bflag:$0x3] =	sbarrier.arrive $0xFFFF  }
0x69: {  	_ =	shalt  }

// kernel: sparse-core-data-format-call.1.cloned.1.call-start
scs
called_computation.1_lowered:
.L_overlay_start_0:
0x0: {  	s2 =	sld [smem:$0x3FD9]  }
0x1: {  	s3 =	sld [smem:$0x3FFE];
	_ =	sdelay $0x1  }
0x2: {  	s1 =	srdreg.scid  }
0x3: {  	s0 =	sand.u32 $0x1, s1  }
0x4: {  	s18 =	sshll.u32 s0, $0xA;
	s2 =	sadd.s32 s3, s2  }
0x5: {  	s2 =	sadd.s32 s2, s18  }
0x6: {  	[smem:$0x3FC5] =	sst s2  }
0x7: {  	_ = 	snop  }
0x8: {  	s2 =	sld [smem:$0x3FC7];
	(tm) =	ssettm $0x1  }
0x9: {  	s19 =	sld [smem:$0x3FFB];
	_ =	sdelay $0x3  }
0xa: {  	_ =	strace s19  }
0xb: {  	s3 =	sld [smem:$0x3FFC];
	_ =	sdelay $0x3  }
0xc: {  	_ =	strace s3  }
0xd: {  	s3 =	sld [smem:$0x3FFD];
	_ =	sdelay $0x3  }
0xe: {  	_ =	strace s3  }
0xf: {  	_ =	strace $0x8FFFFFFF  }
0x10: {  	s20 =	sld [smem:$0x3FDB];
	_ =	sdelay $0x1  }
0x11: {  	s4 =	simm.s32 $_scs_section_size  }
0x12: {  	s5 =	simm.s32 $_size__tile_overlayer_lowered;
	s6 =	simm.s32 $_tile_overlayer_lowered  }
0x13: {  	s23 =	simm.s32 $0x1BFF;
	s22 =	sshll.u32 s6, $0x1;
	s3 =	sadd.s32 s4, s20  }
0x14: {  	s7 =	simm.s32 $0x0;
	s21 =	sshll.u32 s5, $0x1;
	s5 =	sadd.s32 s22, s3  }
0x15: {  	[timem:s7], [sflag:s23] =	dma.local [hbm:s5], s21  }
0x16: {  	_ =	swait.ge [sflag:s23], s21  }
0x17: {  	s4 =	ssub.s32 $0x0, s21;
	[sflag:s23] =	ssyncset.done $0x0  }
0x18: {  	[sflag:s23] =	ssyncadd.s32 s4;
	_ =	sdelay $0x1  }
0x19: {  	s24 =	simm.s32 $0x1B8B  }
0x1a: {  	_ =	swait.ge [sflag:s24], $0x1  }
0x1b: {  	[sflag:s24] =	ssyncset.done $0x0  }
0x1c: {  	s26 =	simm.s32 $0x1B8E;
	s25 =	sld [smem:$0x3FFE];
	[sflag:s24] =	ssyncadd.s32 $0xFFFFFFFF  }
0x1d: {  	s27 =	simm.s32 $execute0_lowered;
	[smem:$0x3FD2] =	sst s26  }
0x1e: {  	s5 =	sshll.u32 s27, $0x1;
	_ =	strace $0x80000046;
	[dreg:$0x1] =	wrdreg $0xFFFFFFFF  }
0x1f: {  	s28 =	simm.s32 $_size_execute0_lowered;
	s3 =	sadd.s32 s3, s5;
	[dreg:$0x0] =	wrdreg $0x0  }
0x20: {  	s5 =	sshll.u32 s28, $0x1;
	[dreg:$0x2] =	wrdreg s3  }
0x21: {  	[dreg:$0x3] =	wrdreg s5  }
0x22: {  	[dreg:$0x4] =	wrdreg $0xC0  }
0x23: {  	_ =	task [dreg:s7], $0x5FFFF  }
0x24: {  	[dreg:$0x1] =	wrdreg $0xFFFFFFFF  }
0x25: {  	[dreg:$0x0] =	wrdreg $0x60  }
0x26: {  	[dreg:$0x2] =	wrdreg s2  }
0x27: {  	[dreg:$0x3] =	wrdreg s25  }
0x28: {  	[dreg:$0x4] =	wrdreg $0x9  }
0x29: {  	_ =	task.clear_ibuf [dreg:s7], $0x5FFFF;
	_ =	strace $0x90000046  }
0x2a: {  	s29 =	simm.s32 $0x9;
	_ =	strace $0x80000048  }
0x2b: {  	_ =	swait.ge [sflag:s29], $0x1  }
0x2c: {  	[sflag:s29] =	ssyncadd.s32 $0xFFFFFFFF  }
0x2d: {  	_ =	strace $0x90000048  }
0x2e: {  	_ =	sfence  }
0x2f: {  	s30 =	sld [smem:$0x0];
	_ =	sdelay $0x2  }
0x30: {  	s31 =	sshll.u32 s1, $0xD;
	s1 =	sshrl.u32 s1, $0x2  }
0x31: {  	s3 =	sand.u32 $0x4000, s31;
	s1 =	sadd.s32 s1, s30  }
0x32: {  	s0 =	sor.u32 s3, s0;
	s1 =	sshll.u32 s1, $0x11  }
0x33: {  	s0 =	sor.u32 s1, s0  }
0x34: {  	s0 =	sadd.s32 $0x8F2B, s0  }
0x35: {  	[sflag:s0] =	ssyncadd.remote.s32 $0x1  }
0x36: {  	_ =	sfence.sel $0xFFFF  }
0x37: {  	[dreg:$0x0] =	wrdreg $0xFFFFFFFF;
	(pc) =	sbr.abs _section_cstart, $3  }
0x38: {  	[dreg:$0x1] =	wrdreg $0xFFFFFFFF  }
0x39: {  	_ =	task.clear_ibuf [dreg:s7], $0x2FFFF;
	_ =	strace $0x9FFFFFFF  }
0x3a: {  	(tm) =	ssettm $0x7FFFFFFF  }
0x3b: {  	_ =	shalt  }
tec
execute0_lowered:
.L_overlay_start_1:
0x0: {  	(tag) =	ssettag $0x1  }
0x1: {  	s0 =	srdreg.scid;
	s2 =	rddreg [dreg:$0x0]  }
0x2: {  	s5 =	rddreg [dreg:$0x1];
	s1 =	stileid.u32  }
0x3: {  	s4 =	simm.s32 $0x1;
	s6 =	simm.s32 $0x2;
	s15 =	simm.s32 $0x0  }
0x4: {  	p0 =	por $0x0, $0x0;
	s8 =	simm.s32 $0x80;
	s0 =	sshll.u32 s0, $0x4  }
0x5: {  	s14 =	simm.s32 $0x0;
	s9 =	simm.s32 $0x0;
	s3 =	sand.u32 $0x10, s0  }
.Ltmp0:
0x6: {  	s10 =	simm.s32 $0x0;
	s3 =	sor.u32 s1, s3;
	(pc) =	sbr.rel .LBB1_1-.Ltmp0, $4  }
0x7: {  	s0 =	rddreg [dreg:$0x2];
	_ =	strace $0x80000047;
	s3 =	sshll.u32 s3, $0x7  }
0x8: {  	s12 =	simm.s32 $0x0;
	[sflag:s4] =	ssyncpa.u1 $0x0;
	s7 =	ssub.s32 $0xF4200, s3  }
0x9: {  	s13 =	simm.s32 $0x0;
	[sflag:s6] =	ssyncpa.u1 $0x0;
	s6 =	sshrl.u32 s7, $0xC  }
0xa: {  	s5 =	sadd.s32 $0x1400, s5;
	s11 =	smov.u32 s3;
	s7 =	sadd.s32 $0x2, s6  }
.LBB1_5:
0xb: {  	p1 =	slt.u32 s13, $0x2  }
0xc: {  	s17 =	smov.u32 s15;
	p2 =	sgt.s32 @!p1 s15, $0xF41C0;
	s16 =	sshra.s32 @!p1 s15, $0x1F  }
0xd: {  	p3 =	sgt.s32 @!p1 s14, $0x40;
	s18 =	sshra.s32 @!p1 s14, $0x1F;
	p2 =	por !p2, p1  }
0xe: {  	s15 =	sand.u32 @!p1 s16, s15;
	p3 =	por !p3, p1;
	s16 =	smov.u32 s14  }
0xf: {  	s14 =	sand.u32 @!p1 s18, s14;
	s17 =	simm.s32 @p2 $0xF41C0;
	s16 =	simm.s32 @p3 $0x40  }
0x10: {  	s15 =	ssub.s32 @!p1 s17, s15;
	s14 =	ssub.s32 @!p1 s16, s14  }
0x11: {  	s18 =	smov.u32 s12;
	s16 =	sadd.s32 @!p1 $0xFFF0BE40, s15;
	s17 =	sadd.s32 @!p1 $0xFFFFFFC0, s14  }
0x12: {  	s15 =	ssub.s32 @!p1 $0xF4240, s15;
	p2 =	sgt.s32 @!p1 s16, $0x7F;
	p3 =	sgt.s32 @!p1 s17, $0x3F  }
0x13: {  	s14 =	ssub.s32 @!p1 $0x80, s14;
	p2 =	por !p2, p1;
	p3 =	por !p3, p1  }
0x14: {  	s16 =	sadd.s32 $0x1000, s11;
	s15 =	simm.s32 @!p2 $0x0;
	s14 =	simm.s32 @!p3 $0x0  }
0x15: {  	p2 =	sgt.s32 s16, $0xF423F;
	s14 =	smul.u32 @!p1 s14, s15;
	s15 =	sadd.s32 $0x40, s12  }
0x16: {  	s18 =	smov.u32 @p2 s15  }
0x17: {  	s16 =	smov.u32 @p2 s3;
	p2 =	sgt.s32 s18, $0x3F  }
0x18: {  	s18 =	simm.s32 @p2 $0x0;
	p2 =	sne.s32 s13, s7  }
.Ltmp1:
0x19: {  	p0 =	por !p0, !p0;
	s17 =	simm.s32 @!p1 $0x2;
	(pc) =	sbr.rel @!p2 .LBB1_6-.Ltmp1, $4  }
0x1a: {  	s15 =	smov.u32 s9;
	s9 =	smov.u32 s11;
	s14 =	sand.u32 @!p1 $0x3FFFFFFF, s14  }
0x1b: {  	s11 =	smov.u32 s16;
	_ =	swait.ge @!p1 [sflag:s17], s14;
	s19 =	ssub.s32 @!p1 $0x0, s14  }
0x1c: {  	s14 =	smov.u32 s10;
	s13 =	sadd.s32 $0x1, s13;
	[sflag:s17] =	ssyncset.done @!p1 $0x0  }
0x1d: {  	s10 =	smov.u32 s12;
	s12 =	smov.u32 s18;
	[sflag:s17] =	ssyncadd.s32 @!p1 s19  }
.LBB1_1:
0x1e: {  	p1 =	sgt.u32 s13, s6  }
0x1f: {  	s16 =	sshrl.u32 @!p1 s12, $0x3  }
0x20: {  	s17 =	sshll.u32 @!p1 s11, $0x3;
	s16 =	smul.u32 @!p1 $0x7A1400, s16  }
0x21: {  	s18 =	sshll.u32 @!p1 s12, $0x7;
	s17 =	sand.u32 @!p1 $0xFFFFFC00, s17  }
0x22: {  	s16 =	sadd.s32 @!p1 s16, s17;
	s17 =	sand.u32 @!p1 $0x380, s18  }
0x23: {  	s18 =	sand.u32 @!p1 $0x7F, s11;
	s16 =	sor.u32 @!p1 s17, s16  }
0x24: {  	s17 =	sor.u32 @!p1 s18, s16  }
0x25: {  	s18 =	smulhi.u32 @!p1 $0x218D6287, s17;
	_ =	sdelay $0x1  }
0x26: {  	s16 =	smulhi.u32 @!p1 $0x218D6287, s16;
	s18 =	sshrl.u32 @!p1 s18, $0x11  }
0x27: {  	s18 =	smul.u32 @!p1 $0xF4280, s18  }
0x28: {  	s19 =	sxor.u32 @!p1 $0xFFFFFFFF, s13;
	s16 =	sshrl.u32 @!p1 s16, $0x11  }
0x29: {  	s19 =	sshll.u32 @!p1 s19, $0xD;
	s16 =	sand.u32 @!p1 $0x3F, s16;
	s17 =	ssub.s32 @!p1 s17, s18  }
0x2a: {  	s16 =	smul.u32 @!p1 $0x1E850, s16;
	s18 =	sshrl.u32 @!p1 s17, $0x3;
	s17 =	sand.u32 @!p1 $0x7, s17  }
0x2b: {  	s19 =	sand.u32 @!p1 $0x2000, s19;
	s18 =	sadd.s32 @!p1 s2, s18;
	s17 =	sshll.u32 @!p1 s17, $0x12  }
0x2c: {  	s16 =	sadd.s32 @!p1 s16, s18;
	s17 =	sor.u32 @!p1 $0x400, s17;
	s18 =	simm.s32 @!p1 $0x7A1400  }
0x2d: {  	[tilespmem:s19], [sflag:$0x1] =	stream.strided.gather @!p1 [hbm4b:s16+s17], $0x2000, s18, s17, $0x38;
	[tilespmem:$0x8100] =	vst v63  }
0x2e: {  	p1 =	seq.s32 s13, $0x0  }
0x2f: {  	p2 =	sge.u32 @!p1 s13, s7  }
0x30: {  	p1 =	por p1, p2  }
.Ltmp2:
0x31: {  	_ = 	snop;
	(pc) =	sbr.rel @p1 .LBB1_5-.Ltmp2, $1  }
0x32: {  	_ =	sdelay $0x3  }
0x33: {  	s16 =	simm.s32 $0x1  }
0x34: {  	_ =	swait.ge [sflag:s4], $0x2000;
	s16 =	simm.s32 @!p0 $0x0  }
0x35: {  	[sflag:s4] =	ssyncset.done $0x0;
	s17 =	sshll.u32 s16, $0xD  }
0x36: {  	[sflag:s4] =	ssyncadd.s32 $0xFFFFE000;
	s17 =	sor.u32 $0x40, s17  }
0x37: {  	s16 =	smul.u32 $0x8200, s16;
	v0 =	vld [tilespmem:s17+$0x30]  }
0x38: {  	v1 =	vld [tilespmem:s17+$0xFFFFFFD0]  }
0x39: {  	s16 =	sshrl.u32 s16, $0x2;
	v5 =	vld [tilespmem:s17+$0xFFFFFFE0]  }
0x3a: {  	v6 =	vld [tilespmem:s17+$0xFFFFFFF0];
	s19 =	sor.u32 $0x4000, s16  }
0x3b: {  	s31 =	sand.u32 $0x1, s13;
	v4 =	vld [tilespmem:s17+$0x0];
	s18 =	sadd.s32 $0x0, s19  }
0x3c: {  	v3 =	vld [tilespmem:s17+$0x10];
	s16 =	smul.u32 $0x8200, s31;
	[tilespmem:s18+$0x1C70 ss:$0x41] =	vst.msk $0xffff, v0  }
0x3d: {  	v2 =	vld [tilespmem:s17+$0x20];
	[tilespmem:s18+$0x410 ss:$0x41] =	vst.msk $0xffff, v1  }
0x3e: {  	s16 =	sshrl.u32 s16, $0x2;
	v1 =	vld [tilespmem:s17+$0xFFFFFFC0];
	[tilespmem:s18+$0x820 ss:$0x41] =	vst.msk $0xffff, v5;
	s17 =	sadd.s32 $0x80, s17  }
0x3f: {  	s20 =	simm.s32 $0x4;
	s21 =	simm.s32 $0x8;
	s16 =	sor.u32 $0x4000, s16;
	[tilespmem:s18+$0xC30 ss:$0x41] =	vst.msk $0xffff, v6;
	v0 =	vld [tilespmem:s17+$0x30]  }
.LBB1_3:
0x40: {  	p1 =	sne.s32 s21, $0xFC;
	v5 =	vld [tilespmem:s17+$0xFFFFFFD0];
	[tilespmem:s18+$0x1040 ss:$0x41] =	vst.msk $0xffff, v4  }
0x41: {  	v6 =	vld [tilespmem:s17+$0xFFFFFFE0];
	[tilespmem:s18+$0x1450 ss:$0x41] =	vst.msk $0xffff, v3  }
0x42: {  	s22 =	sshra.s32 s20, $0x2;
	s20 =	smov.u32 s21;
	v7 =	vld [tilespmem:s17+$0xFFFFFFF0];
	[tilespmem:s18+$0x1860 ss:$0x41] =	vst.msk $0xffff, v2  }
.Ltmp3:
0x43: {  	v4 =	vld [tilespmem:s17+$0x0];
	[tilespmem:s18+$0x0 ss:$0x41] =	vst.msk $0xffff, v1;
	s18 =	sadd.s32 s22, s19;
	(pc) =	sbr.rel @p1 .LBB1_3-.Ltmp3, $4  }
0x44: {  	v3 =	vld [tilespmem:s17+$0x10];
	[tilespmem:s18+$0x1C70 ss:$0x41] =	vst.msk $0xffff, v0  }
0x45: {  	[tilespmem:s18+$0x410 ss:$0x41] =	vst.msk $0xffff, v5;
	v2 =	vld [tilespmem:s17+$0x20]  }
0x46: {  	v1 =	vld [tilespmem:s17+$0xFFFFFFC0];
	[tilespmem:s18+$0x820 ss:$0x41] =	vst.msk $0xffff, v6;
	s17 =	sadd.s32 $0x80, s17  }
0x47: {  	s21 =	sadd.s32 $0x4, s21;
	v0 =	vld [tilespmem:s17+$0x30];
	[tilespmem:s18+$0xC30 ss:$0x41] =	vst.msk $0xffff, v7  }
0x48: {  	s21 =	sshll.u32 s9, $0x7;
	s22 =	sshll.u32 s10, $0x3;
	s20 =	sshra.s32 s20, $0x2  }
0x49: {  	p1 =	sgt.s32 s9, $0xF41C0;
	s30 =	sshra.s32 s9, $0x1F;
	s25 =	sshra.s32 s10, $0x1F  }
0x4a: {  	v5 =	vld [tilespmem:s17+$0xFFFFFFD0];
	s28 =	sshrl.u32 s10, $0x3;
	s23 =	sand.u32 $0xFFFFFC00, s21;
	s22 =	sand.u32 $0xFFFFFC00, s22  }
0x4b: {  	[tilespmem:s18+$0x1040 ss:$0x41] =	vst.msk $0xffff, v4;
	v58 =	vld [tilespmem:s17+$0xFFFFFFE0];
	s21 =	sand.u32 $0x380, s21;
	s19 =	sadd.s32 s20, s19;
	s22 =	sadd.s32 s22, s23  }
0x4c: {  	v59 =	vld [tilespmem:s17+$0xFFFFFFF0];
	[tilespmem:s18+$0x1450 ss:$0x41] =	vst.msk $0xffff, v3;
	s29 =	sor.u32 s21, s22;
	s21 =	smov.u32 s9;
	s22 =	sand.u32 s30, s9  }
0x4d: {  	v60 =	vld [tilespmem:s17+$0x0];
	[tilespmem:s18+$0x1860 ss:$0x41] =	vst.msk $0xffff, v2;
	s30 =	sand.u32 $0x7, s10;
	s20 =	sshrl.u32 s29, $0x7;
	s21 =	simm.s32 @!p1 $0xF41C0  }
0x4e: {  	v61 =	vld [tilespmem:s17+$0x10];
	[tilespmem:s18+$0x0 ss:$0x41] =	vst.msk $0xffff, v1;
	p1 =	sgt.s32 s10, $0x40;
	s24 =	ssub.s32 s21, s22;
	s21 =	smov.u32 s10  }
0x4f: {  	v62 =	vld [tilespmem:s17+$0x20];
	[tilespmem:s19+$0x1C70 ss:$0x41] =	vst.msk $0xffff, v0;
	s31 =	smulhi.u32 $0x218DEF5, s20;
	s22 =	sand.u32 s25, s10;
	s21 =	simm.s32 @!p1 $0x40  }
0x50: {  	v63 =	vld [tilespmem:s17+$0xFFFFFFC0];
	[tilespmem:s19+$0x410 ss:$0x41] =	vst.msk $0xffff, v5;
	s26 =	sadd.s32 $0xFFF0BE40, s24;
	s17 =	ssub.s32 $0xF4240, s24;
	s21 =	ssub.s32 s21, s22  }
0x51: {  	[tilespmem:s19+$0x820 ss:$0x41] =	vst.msk $0xffff, v58;
	s23 =	sshrl.u32 s31, $0xD;
	p1 =	sgt.s32 s26, $0x7F;
	s27 =	sadd.s32 $0xFFFFFFC0, s21  }
0x52: {  	[tilespmem:s19+$0xC30 ss:$0x41] =	vst.msk $0xffff, v59;
	s23 =	smul.u32 $0xF4240, s23;
	s18 =	ssub.s32 $0x80, s21;
	p2 =	sgt.s32 s27, $0x3F  }
.Ltmp4:
0x53: {  	[tilespmem:s19+$0x1040 ss:$0x41] =	vst.msk $0xffff, v60;
	s17 =	simm.s32 @p1 $0x0;
	s18 =	simm.s32 @p2 $0x0;
	(pc) =	sbr.rel .LBB1_5-.Ltmp4, $4  }
0x54: {  	s29 =	sand.u32 $0xF, s28;
	[tilespmem:s19+$0x1450 ss:$0x41] =	vst.msk $0xffff, v61;
	s20 =	ssub.s32 s20, s23;
	s17 =	smul.u32 s18, s17  }
0x55: {  	[tilespmem:s19+$0x1860 ss:$0x41] =	vst.msk $0xffff, v62;
	s21 =	sshll.u32 s30, $0x12;
	s20 =	sshll.u32 s20, $0x4;
	s18 =	sadd.s32 s5, s29  }
0x56: {  	[tilespmem:s19+$0x0 ss:$0x41] =	vst.msk $0xffff, v63;
	s31 =	sor.u32 $0x40, s21;
	s18 =	sadd.s32 s20, s18;
	s17 =	sand.u32 $0x3FFFFFFF, s17  }
0x57: {  	[hbm4b:s18+s31] =	stream.strided.scatter [tilespmem:s16], [sflag:$0x2], s17, s8, s31, $0x18;
	[tilespmem:$0x8100] =	vst v63  }
.LBB1_6:
0x58: {  	_ =	sfence.sel $0x180000  }
0x59: {  	s2 =	simm.s32 $0x1;
	[bflag:$0x0] =	sbarrier.arrive $0xFFFF  }
0x5a: {  	s31 =	simm.s32 $0x2;
	[sflag:s2] =	ssyncpa.u1 $0x1  }
0x5b: {  	[sflag:s31] =	ssyncpa.u1 $0x1  }
0x5c: {  	p0 =	sne.s32 s1, $0x0;
	_ =	strace $0x90000047  }
0x5d: {  	s0 =	sadd.s32 @!p0 $0x100000, s0;
	[bflag:$0x2] =	sbarrier.arrive $0xFFFF  }
0x5e: {  	[sflag:s0] =	ssyncadd.tile.s32 @!p0 $0x1;
	_ =	shalt  }
.Lfunc_end1:
_tile_overlayer_lowered:
.L_overlay_start_2:
0x5f: {  	(tag) =	ssettag $0x2  }
0x60: {  	s0 =	rddreg [dreg:$0x0];
	s2 =	stileid.u32  }
0x61: {  	s1 =	rddreg [dreg:$0x1];
	p0 =	sne.s32 s2, $0x0  }
0x62: {  	s3 =	rddreg [dreg:$0x2];
	[bflag:$0x3] =	sbarrier.arrive $0xFFFF;
	s2 =	simm.s32 @!p0 $0x1C01  }
0x63: {  	[timem:s3], [sflag:s2] =	dma.local @!p0 [hbm:s0], s1  }
0x64: {  	s0 =	simm.s32 @!p0 $0x1  }
0x65: {  	_ =	swait.ge @!p0 [sflag:s0], s1  }
0x66: {  	s1 =	ssub.s32 @!p0 $0x0, s1;
	[sflag:s0] =	ssyncset.done @!p0 $0x0  }
0x67: {  	[sflag:s0] =	ssyncadd.s32 @!p0 s1  }
0x68: {  	[bflag:$0x3] =	sbarrier.arrive $0xFFFF  }
0x69: {  	_ =	shalt  }

// kernel: sparse-core-data-format-call.cloned.1.call-start
scs
called_computation_lowered:
.L_overlay_start_0:
0x0: {  	s2 =	sld [smem:$0x3FD9]  }
0x1: {  	s3 =	sld [smem:$0x3FFE];
	_ =	sdelay $0x1  }
0x2: {  	s1 =	srdreg.scid  }
0x3: {  	s0 =	sand.u32 $0x1, s1  }
0x4: {  	s18 =	sshll.u32 s0, $0xA;
	s2 =	sadd.s32 s3, s2  }
0x5: {  	s2 =	sadd.s32 s2, s18  }
0x6: {  	[smem:$0x3FC5] =	sst s2  }
0x7: {  	_ = 	snop  }
0x8: {  	s2 =	sld [smem:$0x3FD0];
	(tm) =	ssettm $0x1  }
0x9: {  	s19 =	sld [smem:$0x3FFB];
	_ =	sdelay $0x3  }
0xa: {  	_ =	strace s19  }
0xb: {  	s3 =	sld [smem:$0x3FFC];
	_ =	sdelay $0x3  }
0xc: {  	_ =	strace s3  }
0xd: {  	s3 =	sld [smem:$0x3FFD];
	_ =	sdelay $0x3  }
0xe: {  	_ =	strace s3  }
0xf: {  	_ =	strace $0x8FFFFFFF  }
0x10: {  	s20 =	sld [smem:$0x3FDB];
	_ =	sdelay $0x1  }
0x11: {  	s4 =	simm.s32 $_scs_section_size  }
0x12: {  	s5 =	simm.s32 $_size__tile_overlayer_lowered;
	s6 =	simm.s32 $_tile_overlayer_lowered  }
0x13: {  	s23 =	simm.s32 $0x1BFF;
	s22 =	sshll.u32 s6, $0x1;
	s3 =	sadd.s32 s4, s20  }
0x14: {  	s7 =	simm.s32 $0x0;
	s21 =	sshll.u32 s5, $0x1;
	s5 =	sadd.s32 s22, s3  }
0x15: {  	[timem:s7], [sflag:s23] =	dma.local [hbm:s5], s21  }
0x16: {  	_ =	swait.ge [sflag:s23], s21  }
0x17: {  	s4 =	ssub.s32 $0x0, s21;
	[sflag:s23] =	ssyncset.done $0x0  }
0x18: {  	[sflag:s23] =	ssyncadd.s32 s4;
	_ =	sdelay $0x1  }
0x19: {  	s24 =	simm.s32 $0x1B8B  }
0x1a: {  	_ =	swait.ge [sflag:s24], $0x1  }
0x1b: {  	[sflag:s24] =	ssyncset.done $0x0  }
0x1c: {  	s26 =	simm.s32 $0x1B8E;
	s25 =	sld [smem:$0x3FFE];
	[sflag:s24] =	ssyncadd.s32 $0xFFFFFFFF  }
0x1d: {  	s27 =	simm.s32 $execute0_lowered;
	[smem:$0x3FD2] =	sst s26  }
0x1e: {  	s5 =	sshll.u32 s27, $0x1;
	_ =	strace $0x8000004F;
	[dreg:$0x1] =	wrdreg $0xFFFFFFFF  }
0x1f: {  	s28 =	simm.s32 $_size_execute0_lowered;
	s3 =	sadd.s32 s3, s5;
	[dreg:$0x0] =	wrdreg $0x0  }
0x20: {  	s5 =	sshll.u32 s28, $0x1;
	[dreg:$0x2] =	wrdreg s3  }
0x21: {  	[dreg:$0x3] =	wrdreg s5  }
0x22: {  	[dreg:$0x4] =	wrdreg $0xC0  }
0x23: {  	_ =	task [dreg:s7], $0x5FFFF  }
0x24: {  	[dreg:$0x1] =	wrdreg $0xFFFFFFFF  }
0x25: {  	[dreg:$0x0] =	wrdreg $0x60  }
0x26: {  	[dreg:$0x2] =	wrdreg s25  }
0x27: {  	[dreg:$0x3] =	wrdreg s2  }
0x28: {  	[dreg:$0x4] =	wrdreg $0x9  }
0x29: {  	_ =	task.clear_ibuf [dreg:s7], $0x5FFFF;
	_ =	strace $0x9000004F  }
0x2a: {  	s29 =	simm.s32 $0x9;
	_ =	strace $0x80000051  }
0x2b: {  	_ =	swait.ge [sflag:s29], $0x1  }
0x2c: {  	[sflag:s29] =	ssyncadd.s32 $0xFFFFFFFF  }
0x2d: {  	_ =	strace $0x90000051  }
0x2e: {  	_ =	sfence  }
0x2f: {  	s30 =	sld [smem:$0x0];
	_ =	sdelay $0x2  }
0x30: {  	s31 =	sshll.u32 s1, $0xD;
	s1 =	sshrl.u32 s1, $0x2  }
0x31: {  	s3 =	sand.u32 $0x4000, s31;
	s1 =	sadd.s32 s1, s30  }
0x32: {  	s0 =	sor.u32 s3, s0;
	s1 =	sshll.u32 s1, $0x11  }
0x33: {  	s0 =	sor.u32 s1, s0  }
0x34: {  	s0 =	sadd.s32 $0x8F2B, s0  }
0x35: {  	[sflag:s0] =	ssyncadd.remote.s32 $0x1  }
0x36: {  	_ =	sfence.sel $0xFFFF  }
0x37: {  	[dreg:$0x0] =	wrdreg $0xFFFFFFFF;
	(pc) =	sbr.abs _section_cstart, $3  }
0x38: {  	[dreg:$0x1] =	wrdreg $0xFFFFFFFF  }
0x39: {  	_ =	task.clear_ibuf [dreg:s7], $0x2FFFF;
	_ =	strace $0x9FFFFFFF  }
0x3a: {  	(tm) =	ssettm $0x7FFFFFFF  }
0x3b: {  	_ =	shalt  }
tec
execute0_lowered:
.L_overlay_start_1:
0x0: {  	(tag) =	ssettag $0x1  }
0x1: {  	s0 =	srdreg.scid  }
0x2: {  	s1 =	sshll.u32 s0, $0x4  }
0x3: {  	s0 =	stileid.u32;
	s1 =	sand.u32 $0x10, s1  }
0x4: {  	s1 =	sor.u32 s0, s1  }
0x5: {  	s6 =	rddreg [dreg:$0x0];
	s4 =	simm.s32 $0x1;
	s2 =	sshll.u32 s1, $0x7  }
0x6: {  	s7 =	simm.s32 $0x2;
	s12 =	simm.s32 $0x0;
	s1 =	ssub.s32 $0x1000, s2  }
0x7: {  	s8 =	simm.s32 $0x8000;
	s13 =	simm.s32 $0x0;
	s3 =	sand.u32 $0xF80, s1  }
0x8: {  	s9 =	simm.s32 $0x0;
	s5 =	sshrl.u32 s1, $0xC;
	p0 =	sne.s32 s3, $0x0  }
.Ltmp0:
0x9: {  	s1 =	rddreg [dreg:$0x2];
	s4 =	simm.s32 @!p0 $0x0;
	(pc) =	sbr.rel .LBB1_1-.Ltmp0, $4  }
0xa: {  	s11 =	simm.s32 $0x0;
	s3 =	rddreg [dreg:$0x1];
	s5 =	sadd.s32 s4, s5  }
0xb: {  	_ =	strace $0x80000050;
	s4 =	simm.s32 $0x1;
	s5 =	smul.u32 $0xC8, s5  }
0xc: {  	s6 =	sadd.s32 $0x1400, s6;
	s10 =	smov.u32 s2;
	[sflag:s4] =	ssyncpa.u1 $0x0  }
0xd: {  	p0 =	por $0x0, $0x0;
	[sflag:s7] =	ssyncpa.u1 $0x0;
	s7 =	sor.u32 $0x1, s5  }
.LBB1_4:
0xe: {  	s16 =	sshll.u32 s13, $0x3;
	s17 =	sand.u32 $0x78, s13  }
0xf: {  	s30 =	sand.u32 $0x7E00, s13;
	s12 =	sshll.u32 s12, $0xF;
	s16 =	sand.u32 $0xC00, s16  }
0x10: {  	[tilespmem:s15+$0x810 ss:$0x81] =	vst.msk $0xffff, v2;
	s31 =	sand.u32 $0x7, s13;
	s16 =	sor.u32 s17, s16;
	s17 =	sadd.s32 s3, s30  }
0x11: {  	[tilespmem:s15+$0x1020 ss:$0x81] =	vst.msk $0xffff, v0;
	s13 =	sshll.u32 s31, $0x12;
	s12 =	sadd.s32 s12, s17;
	s16 =	sshrl.u32 s16, $0x3  }
0x12: {  	[tilespmem:s15+$0x0 ss:$0x81] =	vst.msk $0xffff, v1;
	s13 =	sor.u32 $0x400, s13;
	s12 =	sadd.s32 s16, s12  }
0x13: {  	[hbm4b:s12+s13] =	stream.strided.scatter [tilespmem:s14], [sflag:$0x2], $0x2000, s8, s13, $0x20;
	[tilespmem:$0x8080] =	vst v63  }
.LBB1_5:
0x14: {  	s14 =	sadd.s32 $0x1, s9  }
0x15: {  	s12 =	sadd.s32 $0x1000, s10;
	s16 =	smov.u32 s10;
	p2 =	sgt.s32 s14, $0xC7  }
0x16: {  	s16 =	smov.u32 @p2 s12  }
0x17: {  	s14 =	simm.s32 @p2 $0x0;
	p2 =	sgt.s32 s16, $0xFFF  }
0x18: {  	s16 =	smov.u32 @p2 s2;
	p2 =	sne.s32 s11, s7  }
.Ltmp1:
0x19: {  	p1 =	slt.u32 s11, $0x2;
	(pc) =	sbr.rel @!p2 .LBB1_6-.Ltmp1, $4  }
0x1a: {  	s15 =	simm.s32 @!p1 $0x2  }
0x1b: {  	s13 =	smov.u32 s10;
	p0 =	por !p0, !p0;
	_ =	swait.ge @!p1 [sflag:s15], $0x2000  }
0x1c: {  	s12 =	smov.u32 s9;
	[sflag:s15] =	ssyncset.done @!p1 $0x0;
	s9 =	smov.u32 s14  }
0x1d: {  	s11 =	sadd.s32 $0x1, s11;
	[sflag:s15] =	ssyncadd.s32 @!p1 $0xFFFFE000;
	s10 =	smov.u32 s16  }
.LBB1_1:
0x1e: {  	p1 =	sge.u32 s11, s5  }
0x1f: {  	s14 =	sand.u32 @!p1 $0x1FFFFFF, s9  }
0x20: {  	s15 =	smulhi.u32 @!p1 $0x147AE15, s14;
	_ =	sdelay $0x1  }
0x21: {  	s15 =	smul.u32 @!p1 $0xC8, s15  }
0x22: {  	s16 =	sxor.u32 @!p1 $0xFFFFFFFF, s11;
	s17 =	smul.u32 @!p1 $0xC80, s10  }
0x23: {  	s31 =	sadd.s32 $0xFFFFFFFF, s11;
	s16 =	sshll.u32 @!p1 s16, $0xD;
	s14 =	ssub.s32 @!p1 s14, s15  }
0x24: {  	s15 =	sand.u32 @!p1 $0x2000, s16;
	s16 =	sadd.s32 @!p1 s6, s17;
	s14 =	sshll.u32 @!p1 s14, $0x4  }
0x25: {  	s17 =	simm.s32 @!p1 $0x6400;
	s14 =	sadd.s32 @!p1 s14, s16;
	s16 =	simm.s32 @!p1 $0x40  }
0x26: {  	[tilespmem:s15], [sflag:$0x1] =	stream.strided.gather @!p1 [hbm4b:s14+s16], $0x2000, s17, s16, $0x38;
	[tilespmem:$0x8080] =	vst v63  }
0x27: {  	p1 =	sge.u32 s31, s5  }
.Ltmp2:
0x28: {  	_ = 	snop;
	(pc) =	sbr.rel @p1 .LBB1_5-.Ltmp2, $1  }
0x29: {  	_ =	sdelay $0x3  }
0x2a: {  	s14 =	simm.s32 $0x1  }
0x2b: {  	_ =	swait.ge [sflag:s4], $0x2000;
	s14 =	simm.s32 @!p0 $0x0  }
0x2c: {  	[sflag:s4] =	ssyncset.done $0x0;
	s15 =	sshll.u32 s14, $0xD  }
0x2d: {  	[sflag:s4] =	ssyncadd.s32 $0xFFFFE000;
	s18 =	sor.u32 $0x20, s15  }
0x2e: {  	s14 =	smul.u32 $0x8100, s14;
	v3 =	vld [tilespmem:s18+$0x10]  }
0x2f: {  	s30 =	sand.u32 $0x1, s11;
	v2 =	vld [tilespmem:s18+$0xFFFFFFF0]  }
0x30: {  	s15 =	smul.u32 $0x8100, s30;
	s14 =	sshrl.u32 s14, $0x2;
	v0 =	vld [tilespmem:s18+$0x0]  }
0x31: {  	v1 =	vld [tilespmem:s18+$0xFFFFFFE0];
	s16 =	sor.u32 $0x4000, s14  }
0x32: {  	s31 =	sshrl.u32 s15, $0x2;
	s15 =	sadd.s32 $0x0, s16  }
0x33: {  	s17 =	simm.s32 $0x4;
	s18 =	sadd.s32 $0x40, s18;
	s14 =	sor.u32 $0x4000, s31;
	[tilespmem:s15+$0x1830 ss:$0x81] =	vst.msk $0xffff, v3  }
.LBB1_3:
0x34: {  	v3 =	vld [tilespmem:s18+$0x10];
	p1 =	sne.s32 s17, $0x1FC;
	[tilespmem:s15+$0x810 ss:$0x81] =	vst.msk $0xffff, v2;
	s19 =	smov.u32 s17;
	s17 =	sadd.s32 $0x4, s17  }
.Ltmp3:
0x35: {  	v2 =	vld [tilespmem:s18+$0xFFFFFFF0];
	[tilespmem:s15+$0x1020 ss:$0x81] =	vst.msk $0xffff, v0;
	(pc) =	sbr.rel @p1 .LBB1_3-.Ltmp3, $4  }
0x36: {  	v0 =	vld [tilespmem:s18+$0x0];
	[tilespmem:s15+$0x0 ss:$0x81] =	vst.msk $0xffff, v1  }
0x37: {  	s15 =	sshra.s32 s19, $0x2;
	v1 =	vld [tilespmem:s18+$0xFFFFFFE0]  }
0x38: {  	s15 =	sadd.s32 s15, s16  }
0x39: {  	s18 =	sadd.s32 $0x40, s18;
	[tilespmem:s15+$0x1830 ss:$0x81] =	vst.msk $0xffff, v3  }
.Ltmp4:
0x3a: {  	_ = 	snop;
	(pc) =	sbr.rel .LBB1_4-.Ltmp4, $1  }
0x3b: {  	_ =	sdelay $0x3  }
.LBB1_6:
0x3c: {  	_ =	sfence.sel $0x180000  }
0x3d: {  	s2 =	simm.s32 $0x1;
	[bflag:$0x0] =	sbarrier.arrive $0xFFFF  }
0x3e: {  	s31 =	simm.s32 $0x2;
	[sflag:s2] =	ssyncpa.u1 $0x1  }
0x3f: {  	[sflag:s31] =	ssyncpa.u1 $0x1  }
0x40: {  	p0 =	sne.s32 s0, $0x0;
	_ =	strace $0x90000050  }
0x41: {  	s0 =	sadd.s32 @!p0 $0x100000, s1;
	[bflag:$0x2] =	sbarrier.arrive $0xFFFF  }
0x42: {  	[sflag:s0] =	ssyncadd.tile.s32 @!p0 $0x1;
	_ =	shalt  }
.Lfunc_end1:
_tile_overlayer_lowered:
.L_overlay_start_2:
0x43: {  	(tag) =	ssettag $0x2  }
0x44: {  	s0 =	rddreg [dreg:$0x0];
	s2 =	stileid.u32  }
0x45: {  	s1 =	rddreg [dreg:$0x1];
	p0 =	sne.s32 s2, $0x0  }
0x46: {  	s3 =	rddreg [dreg:$0x2];
	[bflag:$0x3] =	sbarrier.arrive $0xFFFF;
	s2 =	simm.s32 @!p0 $0x1C01  }
0x47: {  	[timem:s3], [sflag:s2] =	dma.local @!p0 [hbm:s0], s1  }
0x48: {  	s0 =	simm.s32 @!p0 $0x1  }
0x49: {  	_ =	swait.ge @!p0 [sflag:s0], s1  }
0x4a: {  	s1 =	ssub.s32 @!p0 $0x0, s1;
	[sflag:s0] =	ssyncset.done @!p0 $0x0  }
0x4b: {  	[sflag:s0] =	ssyncadd.s32 @!p0 s1  }
0x4c: {  	[bflag:$0x3] =	sbarrier.arrive $0xFFFF  }
0x4d: {  	_ =	shalt  }

</sc_bundles>
